<compile_context>
chip_gen: v7x
topology: tpu7x:2x2x1
jax: 0.10.2.dev20260603
libtpu: 0.0.44.dev20260713+nightly
codegen_flags: <defaults>
</compile_context>

<pallas_src>
import functools
import math

import jax
import jax.numpy as jnp
from jax import lax
from jax.experimental import pallas as pl
from jax.experimental.pallas import tpu as pltpu
from jax.experimental.pallas import tpu_sc as plsc

VOCAB = 1000000
EMB = 64
SCALE = math.sqrt(EMB)

NC = 2
NS = 16
NW = NC * NS

B = 4096 * 200
BPW = B // NW
CH = 128
NCHUNK = BPW // CH


def _emb_kernel(table_hbm, idx_hbm, out_hbm, idx_v,
                gb0, gb1, gb2, gs0, gs1, gs2):
    wid = lax.axis_index("s") * NC + lax.axis_index("c")
    base = wid * BPW
    gbs = (gb0, gb1, gb2)
    gss = (gs0, gs1, gs2)

    pltpu.sync_copy(idx_hbm.at[pl.ds(wid * NCHUNK, NCHUNK)], idx_v)

    pltpu.async_copy(table_hbm.at[idx_v.at[0]], gb0, gs0)
    pltpu.async_copy(table_hbm.at[idx_v.at[1]], gb1, gs1)

    def group(g, carry):
        for b in range(3):
            j = g * 3 + b

            @pl.when(j < NCHUNK)
            def _():
                gb, gsem = gbs[b], gss[b]

                @pl.when(j + 2 < NCHUNK)
                def _():
                    nb = (b + 2) % 3
                    pltpu.async_copy(
                        table_hbm.at[idx_v.at[j + 2]], gbs[nb], gss[nb])

                pltpu.make_async_copy(
                    table_hbm.at[idx_v.at[j]], gb, gsem).wait()

                def scale_body(i, c):
                    for q in range(EMB // 16):
                        s = pl.ds(q * 16, 16)
                        gb[i, s] = gb[i, s] * SCALE
                    return c

                lax.fori_loop(0, CH, scale_body, 0, unroll=8)
                pltpu.sync_copy(gb, out_hbm.at[pl.ds(base + j * CH, CH)])
        return carry

    lax.fori_loop(0, (NCHUNK + 2) // 3, group, 0)


@jax.jit
def _emb_lookup(idx2d, table):
    mesh = plsc.VectorSubcoreMesh(core_axis_name="c", subcore_axis_name="s")
    fn = functools.partial(
        pl.kernel,
        out_type=jax.ShapeDtypeStruct((B, EMB), jnp.float32),
        mesh=mesh,
        scratch_types=[
            pltpu.VMEM((NCHUNK, CH), jnp.int32),
            pltpu.VMEM((CH, EMB), jnp.float32),
            pltpu.VMEM((CH, EMB), jnp.float32),
            pltpu.VMEM((CH, EMB), jnp.float32),
            pltpu.SemaphoreType.DMA,
            pltpu.SemaphoreType.DMA,
            pltpu.SemaphoreType.DMA,
        ],
        compiler_params=pltpu.CompilerParams(use_tc_tiling_on_sc=False),
    )(_emb_kernel)
    return fn(table, idx2d)


def kernel(tokens, table):
    idx2d = tokens.reshape(-1).astype(jnp.int32).reshape(NW * NCHUNK, CH)
    out = _emb_lookup(idx2d, table)
    return out.reshape(tokens.shape[0], tokens.shape[1], EMB)

# --- scband reference (transcript-rebuilt; emitter-appended) ---
"""Pipeline reference for scband-token-embedding-47562467836773 (READ-ONLY COPY).

The authoritative reference and input builder live on the scoring server;
editing this copy changes nothing except your own understanding.
"""

import jax, jax.numpy as jnp
import numpy as np
import math

VOCAB = 1000000
EMB = 64

def setup_inputs(seed: int = 0) -> dict:
    key = jax.random.key(seed)
    k_tok, k_w = jax.random.split(key)
    tokens = jax.random.randint(k_tok, (4096, 200), 0, VOCAB, dtype=jnp.int64)
    table = jax.random.normal(k_w, (VOCAB, EMB), dtype=jnp.float32)
    return {"tokens": tokens, "table": table}

def reference(tokens, table):
    emb = jnp.take(table, tokens, axis=0)
    return emb * math.sqrt(EMB)

if __name__ == "__main__":
    import jax
    _d = setup_inputs()
    print(jax.jit(kernel)(*tuple(_d.values())))

</pallas_src>

<mosaic_0001>
#map = affine_map<(d0, d1) -> (0, 0)>
module attributes {stable_mosaic.version = 14 : i64} {
  func.func @_emb_kernel(%arg0: i32, %arg1: i32, %arg2: memref<1000000x64xf32, #tpu.memory_space<hbm>>, %arg3: memref<6400x128xi32, #tpu.memory_space<hbm>>, %arg4: memref<819200x64xf32, #tpu.memory_space<hbm>>, %arg5: memref<200x128xi32, #tpu.memory_space<vmem>>, %arg6: memref<128x64xf32, #tpu.memory_space<vmem>>, %arg7: memref<128x64xf32, #tpu.memory_space<vmem>>, %arg8: memref<128x64xf32, #tpu.memory_space<vmem>>, %arg9: memref<!tpu.dma_semaphore, #tpu.memory_space<semaphore_mem>>, %arg10: memref<!tpu.dma_semaphore, #tpu.memory_space<semaphore_mem>>, %arg11: memref<!tpu.dma_semaphore, #tpu.memory_space<semaphore_mem>>) attributes {dimension_semantics = [#tpu.dimension_semantics<core_parallel>, #tpu.dimension_semantics<subcore_parallel>], iteration_bounds = array<i64: 2, 16>, scalar_prefetch = 0 : i64, scratch_operands = 7 : i64, tpu.core_type = #tpu.core_type<sc_vector_subcore>, window_params = [{transform_indices = #map}, {transform_indices = #map}, {transform_indices = #map}]} {
    %mul3A = arith.constant 2 : i32
    %mul3A_0 = arith.muli %arg1, %mul3A : i32
    %add3A = arith.addi %mul3A_0, %arg0 : i32
    %mul3A_1 = arith.constant 25600 : i32
    %mul3A_2 = arith.muli %add3A, %mul3A_1 : i32
    %mul3A_3 = arith.constant 200 : i32
    %mul3A_4 = arith.muli %add3A, %mul3A_3 : i32
    "tpu.region"() ({
      %run_scoped3A = tpu.sem_alloc : memref<!tpu.dma_semaphore, #tpu.memory_space<semaphore_mem>>
      %dma_start3A_23 = arith.constant 0 : i32
      %dma_start3A_24 = tpu.memref_slice %arg3[%mul3A_4, %dma_start3A_23] : memref<6400x128xi32, #tpu.memory_space<hbm>> -> memref<200x128xi32, #tpu.memory_space<hbm>>
      %dma_start3A_25 = arith.constant 0 : i32
      %dma_start3A_26 = tpu.memref_slice %arg3[%mul3A_4, %dma_start3A_25] : memref<6400x128xi32, #tpu.memory_space<hbm>> -> memref<200x128xi32, #tpu.memory_space<hbm>>
      tpu.enqueue_dma source(%dma_start3A_26 : memref<200x128xi32, #tpu.memory_space<hbm>>) target(%arg5 : memref<200x128xi32, #tpu.memory_space<vmem>>) target_semaphore(%run_scoped3A : memref<!tpu.dma_semaphore, #tpu.memory_space<semaphore_mem>>)
      %dma_wait3A = arith.constant 0 : i32
      %dma_wait3A_27 = tpu.memref_slice %arg3[%mul3A_4, %dma_wait3A] : memref<6400x128xi32, #tpu.memory_space<hbm>> -> memref<200x128xi32, #tpu.memory_space<hbm>>
      %dma_wait3A_28 = arith.constant 0 : i32
      %dma_wait3A_29 = tpu.memref_slice %arg3[%mul3A_4, %dma_wait3A_28] : memref<6400x128xi32, #tpu.memory_space<hbm>> -> memref<200x128xi32, #tpu.memory_space<hbm>>
      tpu.wait_dma2 semaphore(%run_scoped3A : memref<!tpu.dma_semaphore, #tpu.memory_space<semaphore_mem>>) src(%dma_wait3A_29 : memref<200x128xi32, #tpu.memory_space<hbm>>) dst(%arg5 : memref<200x128xi32, #tpu.memory_space<vmem>>)
      tpu.yield
    }) : () -> ()
    %dma_start3A = arith.constant 0 : i32
    %dma_start3A_5 = arith.constant 0 : i32
    %dma_start3A_6 = tpu.memref_slice %arg5[%dma_start3A, %dma_start3A_5] : memref<200x128xi32, #tpu.memory_space<vmem>> -> memref<1x128xi32, #tpu.memory_space<vmem>>
    %dma_start3A_7 = tpu.memref_squeeze %dma_start3A_6 : memref<1x128xi32, #tpu.memory_space<vmem>> -> memref<128xi32, #tpu.memory_space<vmem>>
    %dma_start3A_8 = arith.constant 0 : i32
    %dma_start3A_9 = arith.constant 0 : i32
    %dma_start3A_10 = tpu.memref_slice %arg2[%dma_start3A_8, %dma_start3A_9] : memref<1000000x64xf32, #tpu.memory_space<hbm>> -> memref<1000000x64xf32, #tpu.memory_space<hbm>>
    tpu.enqueue_indirect_dma source(%dma_start3A_10 : memref<1000000x64xf32, #tpu.memory_space<hbm>>) target(%arg6 : memref<128x64xf32, #tpu.memory_space<vmem>>) offsets(%dma_start3A_7 : memref<128xi32, #tpu.memory_space<vmem>>) semaphore(%arg9 : memref<!tpu.dma_semaphore, #tpu.memory_space<semaphore_mem>>)
    %dma_start3A_11 = arith.constant 1 : i32
    %dma_start3A_12 = arith.constant 0 : i32
    %dma_start3A_13 = tpu.memref_slice %arg5[%dma_start3A_11, %dma_start3A_12] : memref<200x128xi32, #tpu.memory_space<vmem>> -> memref<1x128xi32, #tpu.memory_space<vmem>>
    %dma_start3A_14 = tpu.memref_squeeze %dma_start3A_13 : memref<1x128xi32, #tpu.memory_space<vmem>> -> memref<128xi32, #tpu.memory_space<vmem>>
    %dma_start3A_15 = arith.constant 0 : i32
    %dma_start3A_16 = arith.constant 0 : i32
    %dma_start3A_17 = tpu.memref_slice %arg2[%dma_start3A_15, %dma_start3A_16] : memref<1000000x64xf32, #tpu.memory_space<hbm>> -> memref<1000000x64xf32, #tpu.memory_space<hbm>>
    tpu.enqueue_indirect_dma source(%dma_start3A_17 : memref<1000000x64xf32, #tpu.memory_space<hbm>>) target(%arg7 : memref<128x64xf32, #tpu.memory_space<vmem>>) offsets(%dma_start3A_14 : memref<128xi32, #tpu.memory_space<vmem>>) semaphore(%arg10 : memref<!tpu.dma_semaphore, #tpu.memory_space<semaphore_mem>>)
    %scan3A = arith.constant 0 : i32
    %scan3A_18 = arith.constant 0 : i32
    %scan3A_19 = arith.constant 67 : i32
    %scan3A_20 = arith.addi %scan3A_18, %scan3A_19 : i32
    %scan3A_21 = arith.constant 1 : i32
    scf.for %scan3A_23 = %scan3A_18 to %scan3A_20 step %scan3A_21  : i32 {
      %mul3A_24 = arith.constant 3 : i32
      %mul3A_25 = arith.muli %scan3A_23, %mul3A_24 : i32
      %add3A_26 = arith.constant 0 : i32
      %add3A_27 = arith.addi %mul3A_25, %add3A_26 : i32
      %lt3A = arith.constant 200 : i32
      %lt3A_28 = arith.cmpi slt, %add3A_27, %lt3A : i32
      %convert_element_type3A = arith.extui %lt3A_28 : i1 to i32
      %cond3A = arith.constant 0 : i32
      %cond3A_29 = arith.cmpi ne, %convert_element_type3A, %cond3A : i32
      scf.if %cond3A_29 {
        %add3A_48 = arith.constant 2 : i32
        %add3A_49 = arith.addi %add3A_27, %add3A_48 : i32
        %lt3A_50 = arith.constant 200 : i32
        %lt3A_51 = arith.cmpi slt, %add3A_49, %lt3A_50 : i32
        %convert_element_type3A_52 = arith.extui %lt3A_51 : i1 to i32
        %cond3A_53 = arith.constant 0 : i32
        %cond3A_54 = arith.cmpi ne, %convert_element_type3A_52, %cond3A_53 : i32
        scf.if %cond3A_54 {
          %add3A_69 = arith.constant 2 : i32
          %add3A_70 = arith.addi %add3A_27, %add3A_69 : i32
          %dma_start3A_71 = arith.constant 0 : i32
          %dma_start3A_72 = tpu.memref_slice %arg5[%add3A_70, %dma_start3A_71] : memref<200x128xi32, #tpu.memory_space<vmem>> -> memref<1x128xi32, #tpu.memory_space<vmem>>
          %dma_start3A_73 = tpu.memref_squeeze %dma_start3A_72 : memref<1x128xi32, #tpu.memory_space<vmem>> -> memref<128xi32, #tpu.memory_space<vmem>>
          %dma_start3A_74 = arith.constant 0 : i32
          %dma_start3A_75 = arith.constant 0 : i32
          %dma_start3A_76 = tpu.memref_slice %arg2[%dma_start3A_74, %dma_start3A_75] : memref<1000000x64xf32, #tpu.memory_space<hbm>> -> memref<1000000x64xf32, #tpu.memory_space<hbm>>
          tpu.enqueue_indirect_dma source(%dma_start3A_76 : memref<1000000x64xf32, #tpu.memory_space<hbm>>) target(%arg8 : memref<128x64xf32, #tpu.memory_space<vmem>>) offsets(%dma_start3A_73 : memref<128xi32, #tpu.memory_space<vmem>>) semaphore(%arg11 : memref<!tpu.dma_semaphore, #tpu.memory_space<semaphore_mem>>)
        } else {
        }
        %dma_wait3A = arith.constant 0 : i32
        %dma_wait3A_55 = tpu.memref_slice %arg5[%add3A_27, %dma_wait3A] : memref<200x128xi32, #tpu.memory_space<vmem>> -> memref<1x128xi32, #tpu.memory_space<vmem>>
        %dma_wait3A_56 = tpu.memref_squeeze %dma_wait3A_55 : memref<1x128xi32, #tpu.memory_space<vmem>> -> memref<128xi32, #tpu.memory_space<vmem>>
        %dma_wait3A_57 = arith.constant 0 : i32
        %dma_wait3A_58 = arith.constant 0 : i32
        %dma_wait3A_59 = tpu.memref_slice %arg2[%dma_wait3A_57, %dma_wait3A_58] : memref<1000000x64xf32, #tpu.memory_space<hbm>> -> memref<1000000x64xf32, #tpu.memory_space<hbm>>
        tpu.wait_indirect_dma semaphore(%arg9 : memref<!tpu.dma_semaphore, #tpu.memory_space<semaphore_mem>>) src(%dma_wait3A_59 : memref<1000000x64xf32, #tpu.memory_space<hbm>>) dst(%arg6 : memref<128x64xf32, #tpu.memory_space<vmem>>)
        %scan3A_60 = arith.constant 0 : i32
        %scan3A_61 = arith.constant 0 : i32
        %scan3A_62 = arith.constant 128 : i32
        %scan3A_63 = arith.addi %scan3A_61, %scan3A_62 : i32
        %scan3A_64 = arith.constant 8 : i32
        scf.for %scan3A_69 = %scan3A_61 to %scan3A_63 step %scan3A_64  : i32 {
          %get3A = arith.index_cast %scan3A_69 : i32 to index
          %get3A_70 = arith.constant 0 : index
          %get3A_71 = tpu.vector_load %arg6[%get3A, %get3A_70] {strides = array<i32>} : memref<128x64xf32, #tpu.memory_space<vmem>>, vector<1x16xf32>,
          %get3A_72 = vector.shape_cast %get3A_71 : vector<1x16xf32> to vector<16xf32>
          %mul3A_73 = arith.constant 8.000000e+00 : f32
          %mul3A_74 = vector.broadcast %mul3A_73 : f32 to vector<16xf32>
          %mul3A_75 = arith.mulf %get3A_72, %mul3A_74 : vector<16xf32>
          %swap3A = arith.index_cast %scan3A_69 : i32 to index
          %swap3A_76 = arith.constant 0 : index
          %swap3A_77 = tpu.vector_load %arg6[%swap3A, %swap3A_76] {strides = array<i32>} : memref<128x64xf32, #tpu.memory_space<vmem>>, vector<1x16xf32>,
          %swap3A_78 = vector.shape_cast %swap3A_77 : vector<1x16xf32> to vector<16xf32>
          %swap3A_79 = vector.shape_cast %mul3A_75 : vector<16xf32> to vector<1x16xf32>
          tpu.vector_store %arg6[%swap3A, %swap3A_76], %swap3A_79 {strides = array<i32>} : memref<128x64xf32, #tpu.memory_space<vmem>>, vector<1x16xf32>,
          %get3A_80 = arith.index_cast %scan3A_69 : i32 to index
          %get3A_81 = arith.constant 16 : index
          %get3A_82 = tpu.vector_load %arg6[%get3A_80, %get3A_81] {strides = array<i32>} : memref<128x64xf32, #tpu.memory_space<vmem>>, vector<1x16xf32>,
          %get3A_83 = vector.shape_cast %get3A_82 : vector<1x16xf32> to vector<16xf32>
          %mul3A_84 = arith.constant 8.000000e+00 : f32
          %mul3A_85 = vector.broadcast %mul3A_84 : f32 to vector<16xf32>
          %mul3A_86 = arith.mulf %get3A_83, %mul3A_85 : vector<16xf32>
          %swap3A_87 = arith.index_cast %scan3A_69 : i32 to index
          %swap3A_88 = arith.constant 16 : index
          %swap3A_89 = tpu.vector_load %arg6[%swap3A_87, %swap3A_88] {strides = array<i32>} : memref<128x64xf32, #tpu.memory_space<vmem>>, vector<1x16xf32>,
          %swap3A_90 = vector.shape_cast %swap3A_89 : vector<1x16xf32> to vector<16xf32>
          %swap3A_91 = vector.shape_cast %mul3A_86 : vector<16xf32> to vector<1x16xf32>
          tpu.vector_store %arg6[%swap3A_87, %swap3A_88], %swap3A_91 {strides = array<i32>} : memref<128x64xf32, #tpu.memory_space<vmem>>, vector<1x16xf32>,
          %get3A_92 = arith.index_cast %scan3A_69 : i32 to index
          %get3A_93 = arith.constant 32 : index
          %get3A_94 = tpu.vector_load %arg6[%get3A_92, %get3A_93] {strides = array<i32>} : memref<128x64xf32, #tpu.memory_space<vmem>>, vector<1x16xf32>,
          %get3A_95 = vector.shape_cast %get3A_94 : vector<1x16xf32> to vector<16xf32>
          %mul3A_96 = arith.constant 8.000000e+00 : f32
          %mul3A_97 = vector.broadcast %mul3A_96 : f32 to vector<16xf32>
          %mul3A_98 = arith.mulf %get3A_95, %mul3A_97 : vector<16xf32>
          %swap3A_99 = arith.index_cast %scan3A_69 : i32 to index
          %swap3A_100 = arith.constant 32 : index
          %swap3A_101 = tpu.vector_load %arg6[%swap3A_99, %swap3A_100] {strides = array<i32>} : memref<128x64xf32, #tpu.memory_space<vmem>>, vector<1x16xf32>,
          %swap3A_102 = vector.shape_cast %swap3A_101 : vector<1x16xf32> to vector<16xf32>
          %swap3A_103 = vector.shape_cast %mul3A_98 : vector<16xf32> to vector<1x16xf32>
          tpu.vector_store %arg6[%swap3A_99, %swap3A_100], %swap3A_103 {strides = array<i32>} : memref<128x64xf32, #tpu.memory_space<vmem>>, vector<1x16xf32>,
          %get3A_104 = arith.index_cast %scan3A_69 : i32 to index
          %get3A_105 = arith.constant 48 : index
          %get3A_106 = tpu.vector_load %arg6[%get3A_104, %get3A_105] {strides = array<i32>} : memref<128x64xf32, #tpu.memory_space<vmem>>, vector<1x16xf32>,
          %get3A_107 = vector.shape_cast %get3A_106 : vector<1x16xf32> to vector<16xf32>
          %mul3A_108 = arith.constant 8.000000e+00 : f32
          %mul3A_109 = vector.broadcast %mul3A_108 : f32 to vector<16xf32>
          %mul3A_110 = arith.mulf %get3A_107, %mul3A_109 : vector<16xf32>
          %swap3A_111 = arith.index_cast %scan3A_69 : i32 to index
          %swap3A_112 = arith.constant 48 : index
          %swap3A_113 = tpu.vector_load %arg6[%swap3A_111, %swap3A_112] {strides = array<i32>} : memref<128x64xf32, #tpu.memory_space<vmem>>, vector<1x16xf32>,
          %swap3A_114 = vector.shape_cast %swap3A_113 : vector<1x16xf32> to vector<16xf32>
          %swap3A_115 = vector.shape_cast %mul3A_110 : vector<16xf32> to vector<1x16xf32>
          tpu.vector_store %arg6[%swap3A_111, %swap3A_112], %swap3A_115 {strides = array<i32>} : memref<128x64xf32, #tpu.memory_space<vmem>>, vector<1x16xf32>,
          %scan3A_116 = arith.constant 1 : i32
          %scan3A_117 = arith.addi %scan3A_69, %scan3A_116 : i32
          %get3A_118 = arith.index_cast %scan3A_117 : i32 to index
          %get3A_119 = arith.constant 0 : index
          %get3A_120 = tpu.vector_load %arg6[%get3A_118, %get3A_119] {strides = array<i32>} : memref<128x64xf32, #tpu.memory_space<vmem>>, vector<1x16xf32>,
          %get3A_121 = vector.shape_cast %get3A_120 : vector<1x16xf32> to vector<16xf32>
          %mul3A_122 = arith.constant 8.000000e+00 : f32
          %mul3A_123 = vector.broadcast %mul3A_122 : f32 to vector<16xf32>
          %mul3A_124 = arith.mulf %get3A_121, %mul3A_123 : vector<16xf32>
          %swap3A_125 = arith.index_cast %scan3A_117 : i32 to index
          %swap3A_126 = arith.constant 0 : index
          %swap3A_127 = tpu.vector_load %arg6[%swap3A_125, %swap3A_126] {strides = array<i32>} : memref<128x64xf32, #tpu.memory_space<vmem>>, vector<1x16xf32>,
          %swap3A_128 = vector.shape_cast %swap3A_127 : vector<1x16xf32> to vector<16xf32>
          %swap3A_129 = vector.shape_cast %mul3A_124 : vector<16xf32> to vector<1x16xf32>
          tpu.vector_store %arg6[%swap3A_125, %swap3A_126], %swap3A_129 {strides = array<i32>} : memref<128x64xf32, #tpu.memory_space<vmem>>, vector<1x16xf32>,
          %get3A_130 = arith.index_cast %scan3A_117 : i32 to index
          %get3A_131 = arith.constant 16 : index
          %get3A_132 = tpu.vector_load %arg6[%get3A_130, %get3A_131] {strides = array<i32>} : memref<128x64xf32, #tpu.memory_space<vmem>>, vector<1x16xf32>,
          %get3A_133 = vector.shape_cast %get3A_132 : vector<1x16xf32> to vector<16xf32>
          %mul3A_134 = arith.constant 8.000000e+00 : f32
          %mul3A_135 = vector.broadcast %mul3A_134 : f32 to vector<16xf32>
          %mul3A_136 = arith.mulf %get3A_133, %mul3A_135 : vector<16xf32>
          %swap3A_137 = arith.index_cast %scan3A_117 : i32 to index
          %swap3A_138 = arith.constant 16 : index
          %swap3A_139 = tpu.vector_load %arg6[%swap3A_137, %swap3A_138] {strides = array<i32>} : memref<128x64xf32, #tpu.memory_space<vmem>>, vector<1x16xf32>,
          %swap3A_140 = vector.shape_cast %swap3A_139 : vector<1x16xf32> to vector<16xf32>
          %swap3A_141 = vector.shape_cast %mul3A_136 : vector<16xf32> to vector<1x16xf32>
          tpu.vector_store %arg6[%swap3A_137, %swap3A_138], %swap3A_141 {strides = array<i32>} : memref<128x64xf32, #tpu.memory_space<vmem>>, vector<1x16xf32>,
          %get3A_142 = arith.index_cast %scan3A_117 : i32 to index
          %get3A_143 = arith.constant 32 : index
          %get3A_144 = tpu.vector_load %arg6[%get3A_142, %get3A_143] {strides = array<i32>} : memref<128x64xf32, #tpu.memory_space<vmem>>, vector<1x16xf32>,
          %get3A_145 = vector.shape_cast %get3A_144 : vector<1x16xf32> to vector<16xf32>
          %mul3A_146 = arith.constant 8.000000e+00 : f32
          %mul3A_147 = vector.broadcast %mul3A_146 : f32 to vector<16xf32>
          %mul3A_148 = arith.mulf %get3A_145, %mul3A_147 : vector<16xf32>
          %swap3A_149 = arith.index_cast %scan3A_117 : i32 to index
          %swap3A_150 = arith.constant 32 : index
          %swap3A_151 = tpu.vector_load %arg6[%swap3A_149, %swap3A_150] {strides = array<i32>} : memref<128x64xf32, #tpu.memory_space<vmem>>, vector<1x16xf32>,
          %swap3A_152 = vector.shape_cast %swap3A_151 : vector<1x16xf32> to vector<16xf32>
          %swap3A_153 = vector.shape_cast %mul3A_148 : vector<16xf32> to vector<1x16xf32>
          tpu.vector_store %arg6[%swap3A_149, %swap3A_150], %swap3A_153 {strides = array<i32>} : memref<128x64xf32, #tpu.memory_space<vmem>>, vector<1x16xf32>,
          %get3A_154 = arith.index_cast %scan3A_117 : i32 to index
          %get3A_155 = arith.constant 48 : index
          %get3A_156 = tpu.vector_load %arg6[%get3A_154, %get3A_155] {strides = array<i32>} : memref<128x64xf32, #tpu.memory_space<vmem>>, vector<1x16xf32>,
          %get3A_157 = vector.shape_cast %get3A_156 : vector<1x16xf32> to vector<16xf32>
          %mul3A_158 = arith.constant 8.000000e+00 : f32
          %mul3A_159 = vector.broadcast %mul3A_158 : f32 to vector<16xf32>
          %mul3A_160 = arith.mulf %get3A_157, %mul3A_159 : vector<16xf32>
          %swap3A_161 = arith.index_cast %scan3A_117 : i32 to index
          %swap3A_162 = arith.constant 48 : index
          %swap3A_163 = tpu.vector_load %arg6[%swap3A_161, %swap3A_162] {strides = array<i32>} : memref<128x64xf32, #tpu.memory_space<vmem>>, vector<1x16xf32>,
          %swap3A_164 = vector.shape_cast %swap3A_163 : vector<1x16xf32> to vector<16xf32>
          %swap3A_165 = vector.shape_cast %mul3A_160 : vector<16xf32> to vector<1x16xf32>
          tpu.vector_store %arg6[%swap3A_161, %swap3A_162], %swap3A_165 {strides = array<i32>} : memref<128x64xf32, #tpu.memory_space<vmem>>, vector<1x16xf32>,
          %scan3A_166 = arith.constant 2 : i32
          %scan3A_167 = arith.addi %scan3A_69, %scan3A_166 : i32
          %get3A_168 = arith.index_cast %scan3A_167 : i32 to index
          %get3A_169 = arith.constant 0 : index
          %get3A_170 = tpu.vector_load %arg6[%get3A_168, %get3A_169] {strides = array<i32>} : memref<128x64xf32, #tpu.memory_space<vmem>>, vector<1x16xf32>,
          %get3A_171 = vector.shape_cast %get3A_170 : vector<1x16xf32> to vector<16xf32>
          %mul3A_172 = arith.constant 8.000000e+00 : f32
          %mul3A_173 = vector.broadcast %mul3A_172 : f32 to vector<16xf32>
          %mul3A_174 = arith.mulf %get3A_171, %mul3A_173 : vector<16xf32>
          %swap3A_175 = arith.index_cast %scan3A_167 : i32 to index
          %swap3A_176 = arith.constant 0 : index
          %swap3A_177 = tpu.vector_load %arg6[%swap3A_175, %swap3A_176] {strides = array<i32>} : memref<128x64xf32, #tpu.memory_space<vmem>>, vector<1x16xf32>,
          %swap3A_178 = vector.shape_cast %swap3A_177 : vector<1x16xf32> to vector<16xf32>
          %swap3A_179 = vector.shape_cast %mul3A_174 : vector<16xf32> to vector<1x16xf32>
          tpu.vector_store %arg6[%swap3A_175, %swap3A_176], %swap3A_179 {strides = array<i32>} : memref<128x64xf32, #tpu.memory_space<vmem>>, vector<1x16xf32>,
          %get3A_180 = arith.index_cast %scan3A_167 : i32 to index
          %get3A_181 = arith.constant 16 : index
          %get3A_182 = tpu.vector_load %arg6[%get3A_180, %get3A_181] {strides = array<i32>} : memref<128x64xf32, #tpu.memory_space<vmem>>, vector<1x16xf32>,
          %get3A_183 = vector.shape_cast %get3A_182 : vector<1x16xf32> to vector<16xf32>
          %mul3A_184 = arith.constant 8.000000e+00 : f32
          %mul3A_185 = vector.broadcast %mul3A_184 : f32 to vector<16xf32>
          %mul3A_186 = arith.mulf %get3A_183, %mul3A_185 : vector<16xf32>
          %swap3A_187 = arith.index_cast %scan3A_167 : i32 to index
          %swap3A_188 = arith.constant 16 : index
          %swap3A_189 = tpu.vector_load %arg6[%swap3A_187, %swap3A_188] {strides = array<i32>} : memref<128x64xf32, #tpu.memory_space<vmem>>, vector<1x16xf32>,
          %swap3A_190 = vector.shape_cast %swap3A_189 : vector<1x16xf32> to vector<16xf32>
          %swap3A_191 = vector.shape_cast %mul3A_186 : vector<16xf32> to vector<1x16xf32>
          tpu.vector_store %arg6[%swap3A_187, %swap3A_188], %swap3A_191 {strides = array<i32>} : memref<128x64xf32, #tpu.memory_space<vmem>>, vector<1x16xf32>,
          %get3A_192 = arith.index_cast %scan3A_167 : i32 to index
          %get3A_193 = arith.constant 32 : index
          %get3A_194 = tpu.vector_load %arg6[%get3A_192, %get3A_193] {strides = array<i32>} : memref<128x64xf32, #tpu.memory_space<vmem>>, vector<1x16xf32>,
          %get3A_195 = vector.shape_cast %get3A_194 : vector<1x16xf32> to vector<16xf32>
          %mul3A_196 = arith.constant 8.000000e+00 : f32
          %mul3A_197 = vector.broadcast %mul3A_196 : f32 to vector<16xf32>
          %mul3A_198 = arith.mulf %get3A_195, %mul3A_197 : vector<16xf32>
          %swap3A_199 = arith.index_cast %scan3A_167 : i32 to index
          %swap3A_200 = arith.constant 32 : index
          %swap3A_201 = tpu.vector_load %arg6[%swap3A_199, %swap3A_200] {strides = array<i32>} : memref<128x64xf32, #tpu.memory_space<vmem>>, vector<1x16xf32>,
          %swap3A_202 = vector.shape_cast %swap3A_201 : vector<1x16xf32> to vector<16xf32>
          %swap3A_203 = vector.shape_cast %mul3A_198 : vector<16xf32> to vector<1x16xf32>
          tpu.vector_store %arg6[%swap3A_199, %swap3A_200], %swap3A_203 {strides = array<i32>} : memref<128x64xf32, #tpu.memory_space<vmem>>, vector<1x16xf32>,
          %get3A_204 = arith.index_cast %scan3A_167 : i32 to index
          %get3A_205 = arith.constant 48 : index
          %get3A_206 = tpu.vector_load %arg6[%get3A_204, %get3A_205] {strides = array<i32>} : memref<128x64xf32, #tpu.memory_space<vmem>>, vector<1x16xf32>,
          %get3A_207 = vector.shape_cast %get3A_206 : vector<1x16xf32> to vector<16xf32>
          %mul3A_208 = arith.constant 8.000000e+00 : f32
          %mul3A_209 = vector.broadcast %mul3A_208 : f32 to vector<16xf32>
          %mul3A_210 = arith.mulf %get3A_207, %mul3A_209 : vector<16xf32>
          %swap3A_211 = arith.index_cast %scan3A_167 : i32 to index
          %swap3A_212 = arith.constant 48 : index
          %swap3A_213 = tpu.vector_load %arg6[%swap3A_211, %swap3A_212] {strides = array<i32>} : memref<128x64xf32, #tpu.memory_space<vmem>>, vector<1x16xf32>,
          %swap3A_214 = vector.shape_cast %swap3A_213 : vector<1x16xf32> to vector<16xf32>
          %swap3A_215 = vector.shape_cast %mul3A_210 : vector<16xf32> to vector<1x16xf32>
          tpu.vector_store %arg6[%swap3A_211, %swap3A_212], %swap3A_215 {strides = array<i32>} : memref<128x64xf32, #tpu.memory_space<vmem>>, vector<1x16xf32>,
          %scan3A_216 = arith.constant 3 : i32
          %scan3A_217 = arith.addi %scan3A_69, %scan3A_216 : i32
          %get3A_218 = arith.index_cast %scan3A_217 : i32 to index
          %get3A_219 = arith.constant 0 : index
          %get3A_220 = tpu.vector_load %arg6[%get3A_218, %get3A_219] {strides = array<i32>} : memref<128x64xf32, #tpu.memory_space<vmem>>, vector<1x16xf32>,
          %get3A_221 = vector.shape_cast %get3A_220 : vector<1x16xf32> to vector<16xf32>
          %mul3A_222 = arith.constant 8.000000e+00 : f32
          %mul3A_223 = vector.broadcast %mul3A_222 : f32 to vector<16xf32>
          %mul3A_224 = arith.mulf %get3A_221, %mul3A_223 : vector<16xf32>
          %swap3A_225 = arith.index_cast %scan3A_217 : i32 to index
          %swap3A_226 = arith.constant 0 : index
          %swap3A_227 = tpu.vector_load %arg6[%swap3A_225, %swap3A_226] {strides = array<i32>} : memref<128x64xf32, #tpu.memory_space<vmem>>, vector<1x16xf32>,
          %swap3A_228 = vector.shape_cast %swap3A_227 : vector<1x16xf32> to vector<16xf32>
          %swap3A_229 = vector.shape_cast %mul3A_224 : vector<16xf32> to vector<1x16xf32>
          tpu.vector_store %arg6[%swap3A_225, %swap3A_226], %swap3A_229 {strides = array<i32>} : memref<128x64xf32, #tpu.memory_space<vmem>>, vector<1x16xf32>,
          %get3A_230 = arith.index_cast %scan3A_217 : i32 to index
          %get3A_231 = arith.constant 16 : index
          %get3A_232 = tpu.vector_load %arg6[%get3A_230, %get3A_231] {strides = array<i32>} : memref<128x64xf32, #tpu.memory_space<vmem>>, vector<1x16xf32>,
          %get3A_233 = vector.shape_cast %get3A_232 : vector<1x16xf32> to vector<16xf32>
          %mul3A_234 = arith.constant 8.000000e+00 : f32
          %mul3A_235 = vector.broadcast %mul3A_234 : f32 to vector<16xf32>
          %mul3A_236 = arith.mulf %get3A_233, %mul3A_235 : vector<16xf32>
          %swap3A_237 = arith.index_cast %scan3A_217 : i32 to index
          %swap3A_238 = arith.constant 16 : index
          %swap3A_239 = tpu.vector_load %arg6[%swap3A_237, %swap3A_238] {strides = array<i32>} : memref<128x64xf32, #tpu.memory_space<vmem>>, vector<1x16xf32>,
          %swap3A_240 = vector.shape_cast %swap3A_239 : vector<1x16xf32> to vector<16xf32>
          %swap3A_241 = vector.shape_cast %mul3A_236 : vector<16xf32> to vector<1x16xf32>
          tpu.vector_store %arg6[%swap3A_237, %swap3A_238], %swap3A_241 {strides = array<i32>} : memref<128x64xf32, #tpu.memory_space<vmem>>, vector<1x16xf32>,
          %get3A_242 = arith.index_cast %scan3A_217 : i32 to index
          %get3A_243 = arith.constant 32 : index
          %get3A_244 = tpu.vector_load %arg6[%get3A_242, %get3A_243] {strides = array<i32>} : memref<128x64xf32, #tpu.memory_space<vmem>>, vector<1x16xf32>,
          %get3A_245 = vector.shape_cast %get3A_244 : vector<1x16xf32> to vector<16xf32>
          %mul3A_246 = arith.constant 8.000000e+00 : f32
          %mul3A_247 = vector.broadcast %mul3A_246 : f32 to vector<16xf32>
          %mul3A_248 = arith.mulf %get3A_245, %mul3A_247 : vector<16xf32>
          %swap3A_249 = arith.index_cast %scan3A_217 : i32 to index
          %swap3A_250 = arith.constant 32 : index
          %swap3A_251 = tpu.vector_load %arg6[%swap3A_249, %swap3A_250] {strides = array<i32>} : memref<128x64xf32, #tpu.memory_space<vmem>>, vector<1x16xf32>,
          %swap3A_252 = vector.shape_cast %swap3A_251 : vector<1x16xf32> to vector<16xf32>
          %swap3A_253 = vector.shape_cast %mul3A_248 : vector<16xf32> to vector<1x16xf32>
          tpu.vector_store %arg6[%swap3A_249, %swap3A_250], %swap3A_253 {strides = array<i32>} : memref<128x64xf32, #tpu.memory_space<vmem>>, vector<1x16xf32>,
          %get3A_254 = arith.index_cast %scan3A_217 : i32 to index
          %get3A_255 = arith.constant 48 : index
          %get3A_256 = tpu.vector_load %arg6[%get3A_254, %get3A_255] {strides = array<i32>} : memref<128x64xf32, #tpu.memory_space<vmem>>, vector<1x16xf32>,
          %get3A_257 = vector.shape_cast %get3A_256 : vector<1x16xf32> to vector<16xf32>
          %mul3A_258 = arith.constant 8.000000e+00 : f32
          %mul3A_259 = vector.broadcast %mul3A_258 : f32 to vector<16xf32>
          %mul3A_260 = arith.mulf %get3A_257, %mul3A_259 : vector<16xf32>
          %swap3A_261 = arith.index_cast %scan3A_217 : i32 to index
          %swap3A_262 = arith.constant 48 : index
          %swap3A_263 = tpu.vector_load %arg6[%swap3A_261, %swap3A_262] {strides = array<i32>} : memref<128x64xf32, #tpu.memory_space<vmem>>, vector<1x16xf32>,
          %swap3A_264 = vector.shape_cast %swap3A_263 : vector<1x16xf32> to vector<16xf32>
          %swap3A_265 = vector.shape_cast %mul3A_260 : vector<16xf32> to vector<1x16xf32>
          tpu.vector_store %arg6[%swap3A_261, %swap3A_262], %swap3A_265 {strides = array<i32>} : memref<128x64xf32, #tpu.memory_space<vmem>>, vector<1x16xf32>,
          %scan3A_266 = arith.constant 4 : i32
          %scan3A_267 = arith.addi %scan3A_69, %scan3A_266 : i32
          %get3A_268 = arith.index_cast %scan3A_267 : i32 to index
          %get3A_269 = arith.constant 0 : index
          %get3A_270 = tpu.vector_load %arg6[%get3A_268, %get3A_269] {strides = array<i32>} : memref<128x64xf32, #tpu.memory_space<vmem>>, vector<1x16xf32>,
          %get3A_271 = vector.shape_cast %get3A_270 : vector<1x16xf32> to vector<16xf32>
          %mul3A_272 = arith.constant 8.000000e+00 : f32
          %mul3A_273 = vector.broadcast %mul3A_272 : f32 to vector<16xf32>
          %mul3A_274 = arith.mulf %get3A_271, %mul3A_273 : vector<16xf32>
          %swap3A_275 = arith.index_cast %scan3A_267 : i32 to index
          %swap3A_276 = arith.constant 0 : index
          %swap3A_277 = tpu.vector_load %arg6[%swap3A_275, %swap3A_276] {strides = array<i32>} : memref<128x64xf32, #tpu.memory_space<vmem>>, vector<1x16xf32>,
          %swap3A_278 = vector.shape_cast %swap3A_277 : vector<1x16xf32> to vector<16xf32>
          %swap3A_279 = vector.shape_cast %mul3A_274 : vector<16xf32> to vector<1x16xf32>
          tpu.vector_store %arg6[%swap3A_275, %swap3A_276], %swap3A_279 {strides = array<i32>} : memref<128x64xf32, #tpu.memory_space<vmem>>, vector<1x16xf32>,
          %get3A_280 = arith.index_cast %scan3A_267 : i32 to index
          %get3A_281 = arith.constant 16 : index
          %get3A_282 = tpu.vector_load %arg6[%get3A_280, %get3A_281] {strides = array<i32>} : memref<128x64xf32, #tpu.memory_space<vmem>>, vector<1x16xf32>,
          %get3A_283 = vector.shape_cast %get3A_282 : vector<1x16xf32> to vector<16xf32>
          %mul3A_284 = arith.constant 8.000000e+00 : f32
          %mul3A_285 = vector.broadcast %mul3A_284 : f32 to vector<16xf32>
          %mul3A_286 = arith.mulf %get3A_283, %mul3A_285 : vector<16xf32>
          %swap3A_287 = arith.index_cast %scan3A_267 : i32 to index
          %swap3A_288 = arith.constant 16 : index
          %swap3A_289 = tpu.vector_load %arg6[%swap3A_287, %swap3A_288] {strides = array<i32>} : memref<128x64xf32, #tpu.memory_space<vmem>>, vector<1x16xf32>,
          %swap3A_290 = vector.shape_cast %swap3A_289 : vector<1x16xf32> to vector<16xf32>
          %swap3A_291 = vector.shape_cast %mul3A_286 : vector<16xf32> to vector<1x16xf32>
          tpu.vector_store %arg6[%swap3A_287, %swap3A_288], %swap3A_291 {strides = array<i32>} : memref<128x64xf32, #tpu.memory_space<vmem>>, vector<1x16xf32>,
          %get3A_292 = arith.index_cast %scan3A_267 : i32 to index
          %get3A_293 = arith.constant 32 : index
          %get3A_294 = tpu.vector_load %arg6[%get3A_292, %get3A_293] {strides = array<i32>} : memref<128x64xf32, #tpu.memory_space<vmem>>, vector<1x16xf32>,
          %get3A_295 = vector.shape_cast %get3A_294 : vector<1x16xf32> to vector<16xf32>
          %mul3A_296 = arith.constant 8.000000e+00 : f32
          %mul3A_297 = vector.broadcast %mul3A_296 : f32 to vector<16xf32>
          %mul3A_298 = arith.mulf %get3A_295, %mul3A_297 : vector<16xf32>
          %swap3A_299 = arith.index_cast %scan3A_267 : i32 to index
          %swap3A_300 = arith.constant 32 : index
          %swap3A_301 = tpu.vector_load %arg6[%swap3A_299, %swap3A_300] {strides = array<i32>} : memref<128x64xf32, #tpu.memory_space<vmem>>, vector<1x16xf32>,
          %swap3A_302 = vector.shape_cast %swap3A_301 : vector<1x16xf32> to vector<16xf32>
          %swap3A_303 = vector.shape_cast %mul3A_298 : vector<16xf32> to vector<1x16xf32>
          tpu.vector_store %arg6[%swap3A_299, %swap3A_300], %swap3A_303 {strides = array<i32>} : memref<128x64xf32, #tpu.memory_space<vmem>>, vector<1x16xf32>,
          %get3A_304 = arith.index_cast %scan3A_267 : i32 to index
          %get3A_305 = arith.constant 48 : index
          %get3A_306 = tpu.vector_load %arg6[%get3A_304, %get3A_305] {strides = array<i32>} : memref<128x64xf32, #tpu.memory_space<vmem>>, vector<1x16xf32>,
          %get3A_307 = vector.shape_cast %get3A_306 : vector<1x16xf32> to vector<16xf32>
          %mul3A_308 = arith.constant 8.000000e+00 : f32
          %mul3A_309 = vector.broadcast %mul3A_308 : f32 to vector<16xf32>
          %mul3A_310 = arith.mulf %get3A_307, %mul3A_309 : vector<16xf32>
          %swap3A_311 = arith.index_cast %scan3A_267 : i32 to index
          %swap3A_312 = arith.constant 48 : index
          %swap3A_313 = tpu.vector_load %arg6[%swap3A_311, %swap3A_312] {strides = array<i32>} : memref<128x64xf32, #tpu.memory_space<vmem>>, vector<1x16xf32>,
          %swap3A_314 = vector.shape_cast %swap3A_313 : vector<1x16xf32> to vector<16xf32>
          %swap3A_315 = vector.shape_cast %mul3A_310 : vector<16xf32> to vector<1x16xf32>
          tpu.vector_store %arg6[%swap3A_311, %swap3A_312], %swap3A_315 {strides = array<i32>} : memref<128x64xf32, #tpu.memory_space<vmem>>, vector<1x16xf32>,
          %scan3A_316 = arith.constant 5 : i32
          %scan3A_317 = arith.addi %scan3A_69, %scan3A_316 : i32
          %get3A_318 = arith.index_cast %scan3A_317 : i32 to index
          %get3A_319 = arith.constant 0 : index
          %get3A_320 = tpu.vector_load %arg6[%get3A_318, %get3A_319] {strides = array<i32>} : memref<128x64xf32, #tpu.memory_space<vmem>>, vector<1x16xf32>,
          %get3A_321 = vector.shape_cast %get3A_320 : vector<1x16xf32> to vector<16xf32>
          %mul3A_322 = arith.constant 8.000000e+00 : f32
          %mul3A_323 = vector.broadcast %mul3A_322 : f32 to vector<16xf32>
          %mul3A_324 = arith.mulf %get3A_321, %mul3A_323 : vector<16xf32>
          %swap3A_325 = arith.index_cast %scan3A_317 : i32 to index
          %swap3A_326 = arith.constant 0 : index
          %swap3A_327 = tpu.vector_load %arg6[%swap3A_325, %swap3A_326] {strides = array<i32>} : memref<128x64xf32, #tpu.memory_space<vmem>>, vector<1x16xf32>,
          %swap3A_328 = vector.shape_cast %swap3A_327 : vector<1x16xf32> to vector<16xf32>
          %swap3A_329 = vector.shape_cast %mul3A_324 : vector<16xf32> to vector<1x16xf32>
          tpu.vector_store %arg6[%swap3A_325, %swap3A_326], %swap3A_329 {strides = array<i32>} : memref<128x64xf32, #tpu.memory_space<vmem>>, vector<1x16xf32>,
          %get3A_330 = arith.index_cast %scan3A_317 : i32 to index
          %get3A_331 = arith.constant 16 : index
          %get3A_332 = tpu.vector_load %arg6[%get3A_330, %get3A_331] {strides = array<i32>} : memref<128x64xf32, #tpu.memory_space<vmem>>, vector<1x16xf32>,
          %get3A_333 = vector.shape_cast %get3A_332 : vector<1x16xf32> to vector<16xf32>
          %mul3A_334 = arith.constant 8.000000e+00 : f32
          %mul3A_335 = vector.broadcast %mul3A_334 : f32 to vector<16xf32>
          %mul3A_336 = arith.mulf %get3A_333, %mul3A_335 : vector<16xf32>
          %swap3A_337 = arith.index_cast %scan3A_317 : i32 to index
          %swap3A_338 = arith.constant 16 : index
          %swap3A_339 = tpu.vector_load %arg6[%swap3A_337, %swap3A_338] {strides = array<i32>} : memref<128x64xf32, #tpu.memory_space<vmem>>, vector<1x16xf32>,
          %swap3A_340 = vector.shape_cast %swap3A_339 : vector<1x16xf32> to vector<16xf32>
          %swap3A_341 = vector.shape_cast %mul3A_336 : vector<16xf32> to vector<1x16xf32>
          tpu.vector_store %arg6[%swap3A_337, %swap3A_338], %swap3A_341 {strides = array<i32>} : memref<128x64xf32, #tpu.memory_space<vmem>>, vector<1x16xf32>,
          %get3A_342 = arith.index_cast %scan3A_317 : i32 to index
          %get3A_343 = arith.constant 32 : index
          %get3A_344 = tpu.vector_load %arg6[%get3A_342, %get3A_343] {strides = array<i32>} : memref<128x64xf32, #tpu.memory_space<vmem>>, vector<1x16xf32>,
          %get3A_345 = vector.shape_cast %get3A_344 : vector<1x16xf32> to vector<16xf32>
          %mul3A_346 = arith.constant 8.000000e+00 : f32
          %mul3A_347 = vector.broadcast %mul3A_346 : f32 to vector<16xf32>
          %mul3A_348 = arith.mulf %get3A_345, %mul3A_347 : vector<16xf32>
          %swap3A_349 = arith.index_cast %scan3A_317 : i32 to index
          %swap3A_350 = arith.constant 32 : index
          %swap3A_351 = tpu.vector_load %arg6[%swap3A_349, %swap3A_350] {strides = array<i32>} : memref<128x64xf32, #tpu.memory_space<vmem>>, vector<1x16xf32>,
          %swap3A_352 = vector.shape_cast %swap3A_351 : vector<1x16xf32> to vector<16xf32>
          %swap3A_353 = vector.shape_cast %mul3A_348 : vector<16xf32> to vector<1x16xf32>
          tpu.vector_store %arg6[%swap3A_349, %swap3A_350], %swap3A_353 {strides = array<i32>} : memref<128x64xf32, #tpu.memory_space<vmem>>, vector<1x16xf32>,
          %get3A_354 = arith.index_cast %scan3A_317 : i32 to index
          %get3A_355 = arith.constant 48 : index
          %get3A_356 = tpu.vector_load %arg6[%get3A_354, %get3A_355] {strides = array<i32>} : memref<128x64xf32, #tpu.memory_space<vmem>>, vector<1x16xf32>,
          %get3A_357 = vector.shape_cast %get3A_356 : vector<1x16xf32> to vector<16xf32>
          %mul3A_358 = arith.constant 8.000000e+00 : f32
          %mul3A_359 = vector.broadcast %mul3A_358 : f32 to vector<16xf32>
          %mul3A_360 = arith.mulf %get3A_357, %mul3A_359 : vector<16xf32>
          %swap3A_361 = arith.index_cast %scan3A_317 : i32 to index
          %swap3A_362 = arith.constant 48 : index
          %swap3A_363 = tpu.vector_load %arg6[%swap3A_361, %swap3A_362] {strides = array<i32>} : memref<128x64xf32, #tpu.memory_space<vmem>>, vector<1x16xf32>,
          %swap3A_364 = vector.shape_cast %swap3A_363 : vector<1x16xf32> to vector<16xf32>
          %swap3A_365 = vector.shape_cast %mul3A_360 : vector<16xf32> to vector<1x16xf32>
          tpu.vector_store %arg6[%swap3A_361, %swap3A_362], %swap3A_365 {strides = array<i32>} : memref<128x64xf32, #tpu.memory_space<vmem>>, vector<1x16xf32>,
          %scan3A_366 = arith.constant 6 : i32
          %scan3A_367 = arith.addi %scan3A_69, %scan3A_366 : i32
          %get3A_368 = arith.index_cast %scan3A_367 : i32 to index
          %get3A_369 = arith.constant 0 : index
          %get3A_370 = tpu.vector_load %arg6[%get3A_368, %get3A_369] {strides = array<i32>} : memref<128x64xf32, #tpu.memory_space<vmem>>, vector<1x16xf32>,
          %get3A_371 = vector.shape_cast %get3A_370 : vector<1x16xf32> to vector<16xf32>
          %mul3A_372 = arith.constant 8.000000e+00 : f32
          %mul3A_373 = vector.broadcast %mul3A_372 : f32 to vector<16xf32>
          %mul3A_374 = arith.mulf %get3A_371, %mul3A_373 : vector<16xf32>
          %swap3A_375 = arith.index_cast %scan3A_367 : i32 to index
          %swap3A_376 = arith.constant 0 : index
          %swap3A_377 = tpu.vector_load %arg6[%swap3A_375, %swap3A_376] {strides = array<i32>} : memref<128x64xf32, #tpu.memory_space<vmem>>, vector<1x16xf32>,
          %swap3A_378 = vector.shape_cast %swap3A_377 : vector<1x16xf32> to vector<16xf32>
          %swap3A_379 = vector.shape_cast %mul3A_374 : vector<16xf32> to vector<1x16xf32>
          tpu.vector_store %arg6[%swap3A_375, %swap3A_376], %swap3A_379 {strides = array<i32>} : memref<128x64xf32, #tpu.memory_space<vmem>>, vector<1x16xf32>,
          %get3A_380 = arith.index_cast %scan3A_367 : i32 to index
          %get3A_381 = arith.constant 16 : index
          %get3A_382 = tpu.vector_load %arg6[%get3A_380, %get3A_381] {strides = array<i32>} : memref<128x64xf32, #tpu.memory_space<vmem>>, vector<1x16xf32>,
          %get3A_383 = vector.shape_cast %get3A_382 : vector<1x16xf32> to vector<16xf32>
          %mul3A_384 = arith.constant 8.000000e+00 : f32
          %mul3A_385 = vector.broadcast %mul3A_384 : f32 to vector<16xf32>
          %mul3A_386 = arith.mulf %get3A_383, %mul3A_385 : vector<16xf32>
          %swap3A_387 = arith.index_cast %scan3A_367 : i32 to index
          %swap3A_388 = arith.constant 16 : index
          %swap3A_389 = tpu.vector_load %arg6[%swap3A_387, %swap3A_388] {strides = array<i32>} : memref<128x64xf32, #tpu.memory_space<vmem>>, vector<1x16xf32>,
          %swap3A_390 = vector.shape_cast %swap3A_389 : vector<1x16xf32> to vector<16xf32>
          %swap3A_391 = vector.shape_cast %mul3A_386 : vector<16xf32> to vector<1x16xf32>
          tpu.vector_store %arg6[%swap3A_387, %swap3A_388], %swap3A_391 {strides = array<i32>} : memref<128x64xf32, #tpu.memory_space<vmem>>, vector<1x16xf32>,
          %get3A_392 = arith.index_cast %scan3A_367 : i32 to index
          %get3A_393 = arith.constant 32 : index
          %get3A_394 = tpu.vector_load %arg6[%get3A_392, %get3A_393] {strides = array<i32>} : memref<128x64xf32, #tpu.memory_space<vmem>>, vector<1x16xf32>,
          %get3A_395 = vector.shape_cast %get3A_394 : vector<1x16xf32> to vector<16xf32>
          %mul3A_396 = arith.constant 8.000000e+00 : f32
          %mul3A_397 = vector.broadcast %mul3A_396 : f32 to vector<16xf32>
          %mul3A_398 = arith.mulf %get3A_395, %mul3A_397 : vector<16xf32>
          %swap3A_399 = arith.index_cast %scan3A_367 : i32 to index
          %swap3A_400 = arith.constant 32 : index
          %swap3A_401 = tpu.vector_load %arg6[%swap3A_399, %swap3A_400] {strides = array<i32>} : memref<128x64xf32, #tpu.memory_space<vmem>>, vector<1x16xf32>,
          %swap3A_402 = vector.shape_cast %swap3A_401 : vector<1x16xf32> to vector<16xf32>
          %swap3A_403 = vector.shape_cast %mul3A_398 : vector<16xf32> to vector<1x16xf32>
          tpu.vector_store %arg6[%swap3A_399, %swap3A_400], %swap3A_403 {strides = array<i32>} : memref<128x64xf32, #tpu.memory_space<vmem>>, vector<1x16xf32>,
          %get3A_404 = arith.index_cast %scan3A_367 : i32 to index
          %get3A_405 = arith.constant 48 : index
          %get3A_406 = tpu.vector_load %arg6[%get3A_404, %get3A_405] {strides = array<i32>} : memref<128x64xf32, #tpu.memory_space<vmem>>, vector<1x16xf32>,
          %get3A_407 = vector.shape_cast %get3A_406 : vector<1x16xf32> to vector<16xf32>
          %mul3A_408 = arith.constant 8.000000e+00 : f32
          %mul3A_409 = vector.broadcast %mul3A_408 : f32 to vector<16xf32>
          %mul3A_410 = arith.mulf %get3A_407, %mul3A_409 : vector<16xf32>
          %swap3A_411 = arith.index_cast %scan3A_367 : i32 to index
          %swap3A_412 = arith.constant 48 : index
          %swap3A_413 = tpu.vector_load %arg6[%swap3A_411, %swap3A_412] {strides = array<i32>} : memref<128x64xf32, #tpu.memory_space<vmem>>, vector<1x16xf32>,
          %swap3A_414 = vector.shape_cast %swap3A_413 : vector<1x16xf32> to vector<16xf32>
          %swap3A_415 = vector.shape_cast %mul3A_410 : vector<16xf32> to vector<1x16xf32>
          tpu.vector_store %arg6[%swap3A_411, %swap3A_412], %swap3A_415 {strides = array<i32>} : memref<128x64xf32, #tpu.memory_space<vmem>>, vector<1x16xf32>,
          %scan3A_416 = arith.constant 7 : i32
          %scan3A_417 = arith.addi %scan3A_69, %scan3A_416 : i32
          %get3A_418 = arith.index_cast %scan3A_417 : i32 to index
          %get3A_419 = arith.constant 0 : index
          %get3A_420 = tpu.vector_load %arg6[%get3A_418, %get3A_419] {strides = array<i32>} : memref<128x64xf32, #tpu.memory_space<vmem>>, vector<1x16xf32>,
          %get3A_421 = vector.shape_cast %get3A_420 : vector<1x16xf32> to vector<16xf32>
          %mul3A_422 = arith.constant 8.000000e+00 : f32
          %mul3A_423 = vector.broadcast %mul3A_422 : f32 to vector<16xf32>
          %mul3A_424 = arith.mulf %get3A_421, %mul3A_423 : vector<16xf32>
          %swap3A_425 = arith.index_cast %scan3A_417 : i32 to index
          %swap3A_426 = arith.constant 0 : index
          %swap3A_427 = tpu.vector_load %arg6[%swap3A_425, %swap3A_426] {strides = array<i32>} : memref<128x64xf32, #tpu.memory_space<vmem>>, vector<1x16xf32>,
          %swap3A_428 = vector.shape_cast %swap3A_427 : vector<1x16xf32> to vector<16xf32>
          %swap3A_429 = vector.shape_cast %mul3A_424 : vector<16xf32> to vector<1x16xf32>
          tpu.vector_store %arg6[%swap3A_425, %swap3A_426], %swap3A_429 {strides = array<i32>} : memref<128x64xf32, #tpu.memory_space<vmem>>, vector<1x16xf32>,
          %get3A_430 = arith.index_cast %scan3A_417 : i32 to index
          %get3A_431 = arith.constant 16 : index
          %get3A_432 = tpu.vector_load %arg6[%get3A_430, %get3A_431] {strides = array<i32>} : memref<128x64xf32, #tpu.memory_space<vmem>>, vector<1x16xf32>,
          %get3A_433 = vector.shape_cast %get3A_432 : vector<1x16xf32> to vector<16xf32>
          %mul3A_434 = arith.constant 8.000000e+00 : f32
          %mul3A_435 = vector.broadcast %mul3A_434 : f32 to vector<16xf32>
          %mul3A_436 = arith.mulf %get3A_433, %mul3A_435 : vector<16xf32>
          %swap3A_437 = arith.index_cast %scan3A_417 : i32 to index
          %swap3A_438 = arith.constant 16 : index
          %swap3A_439 = tpu.vector_load %arg6[%swap3A_437, %swap3A_438] {strides = array<i32>} : memref<128x64xf32, #tpu.memory_space<vmem>>, vector<1x16xf32>,
          %swap3A_440 = vector.shape_cast %swap3A_439 : vector<1x16xf32> to vector<16xf32>
          %swap3A_441 = vector.shape_cast %mul3A_436 : vector<16xf32> to vector<1x16xf32>
          tpu.vector_store %arg6[%swap3A_437, %swap3A_438], %swap3A_441 {strides = array<i32>} : memref<128x64xf32, #tpu.memory_space<vmem>>, vector<1x16xf32>,
          %get3A_442 = arith.index_cast %scan3A_417 : i32 to index
          %get3A_443 = arith.constant 32 : index
          %get3A_444 = tpu.vector_load %arg6[%get3A_442, %get3A_443] {strides = array<i32>} : memref<128x64xf32, #tpu.memory_space<vmem>>, vector<1x16xf32>,
          %get3A_445 = vector.shape_cast %get3A_444 : vector<1x16xf32> to vector<16xf32>
          %mul3A_446 = arith.constant 8.000000e+00 : f32
          %mul3A_447 = vector.broadcast %mul3A_446 : f32 to vector<16xf32>
          %mul3A_448 = arith.mulf %get3A_445, %mul3A_447 : vector<16xf32>
          %swap3A_449 = arith.index_cast %scan3A_417 : i32 to index
          %swap3A_450 = arith.constant 32 : index
          %swap3A_451 = tpu.vector_load %arg6[%swap3A_449, %swap3A_450] {strides = array<i32>} : memref<128x64xf32, #tpu.memory_space<vmem>>, vector<1x16xf32>,
          %swap3A_452 = vector.shape_cast %swap3A_451 : vector<1x16xf32> to vector<16xf32>
          %swap3A_453 = vector.shape_cast %mul3A_448 : vector<16xf32> to vector<1x16xf32>
          tpu.vector_store %arg6[%swap3A_449, %swap3A_450], %swap3A_453 {strides = array<i32>} : memref<128x64xf32, #tpu.memory_space<vmem>>, vector<1x16xf32>,
          %get3A_454 = arith.index_cast %scan3A_417 : i32 to index
          %get3A_455 = arith.constant 48 : index
          %get3A_456 = tpu.vector_load %arg6[%get3A_454, %get3A_455] {strides = array<i32>} : memref<128x64xf32, #tpu.memory_space<vmem>>, vector<1x16xf32>,
          %get3A_457 = vector.shape_cast %get3A_456 : vector<1x16xf32> to vector<16xf32>
          %mul3A_458 = arith.constant 8.000000e+00 : f32
          %mul3A_459 = vector.broadcast %mul3A_458 : f32 to vector<16xf32>
          %mul3A_460 = arith.mulf %get3A_457, %mul3A_459 : vector<16xf32>
          %swap3A_461 = arith.index_cast %scan3A_417 : i32 to index
          %swap3A_462 = arith.constant 48 : index
          %swap3A_463 = tpu.vector_load %arg6[%swap3A_461, %swap3A_462] {strides = array<i32>} : memref<128x64xf32, #tpu.memory_space<vmem>>, vector<1x16xf32>,
          %swap3A_464 = vector.shape_cast %swap3A_463 : vector<1x16xf32> to vector<16xf32>
          %swap3A_465 = vector.shape_cast %mul3A_460 : vector<16xf32> to vector<1x16xf32>
          tpu.vector_store %arg6[%swap3A_461, %swap3A_462], %swap3A_465 {strides = array<i32>} : memref<128x64xf32, #tpu.memory_space<vmem>>, vector<1x16xf32>,
        }
        %scan3A_65 = arith.constant 128 : i32
        %mul3A_66 = arith.constant 128 : i32
        %mul3A_67 = arith.muli %add3A_27, %mul3A_66 : i32
        %add3A_68 = arith.addi %mul3A_2, %mul3A_67 : i32
        "tpu.region"() ({
          %run_scoped3A = tpu.sem_alloc : memref<!tpu.dma_semaphore, #tpu.memory_space<semaphore_mem>>
          %dma_start3A_69 = arith.constant 0 : i32
          %dma_start3A_70 = tpu.memref_slice %arg4[%add3A_68, %dma_start3A_69] : memref<819200x64xf32, #tpu.memory_space<hbm>> -> memref<128x64xf32, #tpu.memory_space<hbm>>
          %dma_start3A_71 = arith.constant 0 : i32
          %dma_start3A_72 = tpu.memref_slice %arg4[%add3A_68, %dma_start3A_71] : memref<819200x64xf32, #tpu.memory_space<hbm>> -> memref<128x64xf32, #tpu.memory_space<hbm>>
          tpu.enqueue_dma source(%arg6 : memref<128x64xf32, #tpu.memory_space<vmem>>) target(%dma_start3A_72 : memref<128x64xf32, #tpu.memory_space<hbm>>) target_semaphore(%run_scoped3A : memref<!tpu.dma_semaphore, #tpu.memory_space<semaphore_mem>>)
          %dma_wait3A_73 = arith.constant 0 : i32
          %dma_wait3A_74 = tpu.memref_slice %arg4[%add3A_68, %dma_wait3A_73] : memref<819200x64xf32, #tpu.memory_space<hbm>> -> memref<128x64xf32, #tpu.memory_space<hbm>>
          %dma_wait3A_75 = arith.constant 0 : i32
          %dma_wait3A_76 = tpu.memref_slice %arg4[%add3A_68, %dma_wait3A_75] : memref<819200x64xf32, #tpu.memory_space<hbm>> -> memref<128x64xf32, #tpu.memory_space<hbm>>
          tpu.wait_dma2 semaphore(%run_scoped3A : memref<!tpu.dma_semaphore, #tpu.memory_space<semaphore_mem>>) src(%arg6 : memref<128x64xf32, #tpu.memory_space<vmem>>) dst(%dma_wait3A_76 : memref<128x64xf32, #tpu.memory_space<hbm>>)
          tpu.yield
        }) : () -> ()
      } else {
      }
      %mul3A_30 = arith.constant 3 : i32
      %mul3A_31 = arith.muli %scan3A_23, %mul3A_30 : i32
      %add3A_32 = arith.constant 1 : i32
      %add3A_33 = arith.addi %mul3A_31, %add3A_32 : i32
      %lt3A_34 = arith.constant 200 : i32
      %lt3A_35 = arith.cmpi slt, %add3A_33, %lt3A_34 : i32
      %convert_element_type3A_36 = arith.extui %lt3A_35 : i1 to i32
      %cond3A_37 = arith.constant 0 : i32
      %cond3A_38 = arith.cmpi ne, %convert_element_type3A_36, %cond3A_37 : i32
      scf.if %cond3A_38 {
        %add3A_48 = arith.constant 2 : i32
        %add3A_49 = arith.addi %add3A_33, %add3A_48 : i32
        %lt3A_50 = arith.constant 200 : i32
        %lt3A_51 = arith.cmpi slt, %add3A_49, %lt3A_50 : i32
        %convert_element_type3A_52 = arith.extui %lt3A_51 : i1 to i32
        %cond3A_53 = arith.constant 0 : i32
        %cond3A_54 = arith.cmpi ne, %convert_element_type3A_52, %cond3A_53 : i32
        scf.if %cond3A_54 {
          %add3A_69 = arith.constant 2 : i32
          %add3A_70 = arith.addi %add3A_33, %add3A_69 : i32
          %dma_start3A_71 = arith.constant 0 : i32
          %dma_start3A_72 = tpu.memref_slice %arg5[%add3A_70, %dma_start3A_71] : memref<200x128xi32, #tpu.memory_space<vmem>> -> memref<1x128xi32, #tpu.memory_space<vmem>>
          %dma_start3A_73 = tpu.memref_squeeze %dma_start3A_72 : memref<1x128xi32, #tpu.memory_space<vmem>> -> memref<128xi32, #tpu.memory_space<vmem>>
          %dma_start3A_74 = arith.constant 0 : i32
          %dma_start3A_75 = arith.constant 0 : i32
          %dma_start3A_76 = tpu.memref_slice %arg2[%dma_start3A_74, %dma_start3A_75] : memref<1000000x64xf32, #tpu.memory_space<hbm>> -> memref<1000000x64xf32, #tpu.memory_space<hbm>>
          tpu.enqueue_indirect_dma source(%dma_start3A_76 : memref<1000000x64xf32, #tpu.memory_space<hbm>>) target(%arg6 : memref<128x64xf32, #tpu.memory_space<vmem>>) offsets(%dma_start3A_73 : memref<128xi32, #tpu.memory_space<vmem>>) semaphore(%arg9 : memref<!tpu.dma_semaphore, #tpu.memory_space<semaphore_mem>>)
        } else {
        }
        %dma_wait3A = arith.constant 0 : i32
        %dma_wait3A_55 = tpu.memref_slice %arg5[%add3A_33, %dma_wait3A] : memref<200x128xi32, #tpu.memory_space<vmem>> -> memref<1x128xi32, #tpu.memory_space<vmem>>
        %dma_wait3A_56 = tpu.memref_squeeze %dma_wait3A_55 : memref<1x128xi32, #tpu.memory_space<vmem>> -> memref<128xi32, #tpu.memory_space<vmem>>
        %dma_wait3A_57 = arith.constant 0 : i32
        %dma_wait3A_58 = arith.constant 0 : i32
        %dma_wait3A_59 = tpu.memref_slice %arg2[%dma_wait3A_57, %dma_wait3A_58] : memref<1000000x64xf32, #tpu.memory_space<hbm>> -> memref<1000000x64xf32, #tpu.memory_space<hbm>>
        tpu.wait_indirect_dma semaphore(%arg10 : memref<!tpu.dma_semaphore, #tpu.memory_space<semaphore_mem>>) src(%dma_wait3A_59 : memref<1000000x64xf32, #tpu.memory_space<hbm>>) dst(%arg7 : memref<128x64xf32, #tpu.memory_space<vmem>>)
        %scan3A_60 = arith.constant 0 : i32
        %scan3A_61 = arith.constant 0 : i32
        %scan3A_62 = arith.constant 128 : i32
        %scan3A_63 = arith.addi %scan3A_61, %scan3A_62 : i32
        %scan3A_64 = arith.constant 8 : i32
        scf.for %scan3A_69 = %scan3A_61 to %scan3A_63 step %scan3A_64  : i32 {
          %get3A = arith.index_cast %scan3A_69 : i32 to index
          %get3A_70 = arith.constant 0 : index
          %get3A_71 = tpu.vector_load %arg7[%get3A, %get3A_70] {strides = array<i32>} : memref<128x64xf32, #tpu.memory_space<vmem>>, vector<1x16xf32>,
          %get3A_72 = vector.shape_cast %get3A_71 : vector<1x16xf32> to vector<16xf32>
          %mul3A_73 = arith.constant 8.000000e+00 : f32
          %mul3A_74 = vector.broadcast %mul3A_73 : f32 to vector<16xf32>
          %mul3A_75 = arith.mulf %get3A_72, %mul3A_74 : vector<16xf32>
          %swap3A = arith.index_cast %scan3A_69 : i32 to index
          %swap3A_76 = arith.constant 0 : index
          %swap3A_77 = tpu.vector_load %arg7[%swap3A, %swap3A_76] {strides = array<i32>} : memref<128x64xf32, #tpu.memory_space<vmem>>, vector<1x16xf32>,
          %swap3A_78 = vector.shape_cast %swap3A_77 : vector<1x16xf32> to vector<16xf32>
          %swap3A_79 = vector.shape_cast %mul3A_75 : vector<16xf32> to vector<1x16xf32>
          tpu.vector_store %arg7[%swap3A, %swap3A_76], %swap3A_79 {strides = array<i32>} : memref<128x64xf32, #tpu.memory_space<vmem>>, vector<1x16xf32>,
          %get3A_80 = arith.index_cast %scan3A_69 : i32 to index
          %get3A_81 = arith.constant 16 : index
          %get3A_82 = tpu.vector_load %arg7[%get3A_80, %get3A_81] {strides = array<i32>} : memref<128x64xf32, #tpu.memory_space<vmem>>, vector<1x16xf32>,
          %get3A_83 = vector.shape_cast %get3A_82 : vector<1x16xf32> to vector<16xf32>
          %mul3A_84 = arith.constant 8.000000e+00 : f32
          %mul3A_85 = vector.broadcast %mul3A_84 : f32 to vector<16xf32>
          %mul3A_86 = arith.mulf %get3A_83, %mul3A_85 : vector<16xf32>
          %swap3A_87 = arith.index_cast %scan3A_69 : i32 to index
          %swap3A_88 = arith.constant 16 : index
          %swap3A_89 = tpu.vector_load %arg7[%swap3A_87, %swap3A_88] {strides = array<i32>} : memref<128x64xf32, #tpu.memory_space<vmem>>, vector<1x16xf32>,
          %swap3A_90 = vector.shape_cast %swap3A_89 : vector<1x16xf32> to vector<16xf32>
          %swap3A_91 = vector.shape_cast %mul3A_86 : vector<16xf32> to vector<1x16xf32>
          tpu.vector_store %arg7[%swap3A_87, %swap3A_88], %swap3A_91 {strides = array<i32>} : memref<128x64xf32, #tpu.memory_space<vmem>>, vector<1x16xf32>,
          %get3A_92 = arith.index_cast %scan3A_69 : i32 to index
          %get3A_93 = arith.constant 32 : index
          %get3A_94 = tpu.vector_load %arg7[%get3A_92, %get3A_93] {strides = array<i32>} : memref<128x64xf32, #tpu.memory_space<vmem>>, vector<1x16xf32>,
          %get3A_95 = vector.shape_cast %get3A_94 : vector<1x16xf32> to vector<16xf32>
          %mul3A_96 = arith.constant 8.000000e+00 : f32
          %mul3A_97 = vector.broadcast %mul3A_96 : f32 to vector<16xf32>
          %mul3A_98 = arith.mulf %get3A_95, %mul3A_97 : vector<16xf32>
          %swap3A_99 = arith.index_cast %scan3A_69 : i32 to index
          %swap3A_100 = arith.constant 32 : index
          %swap3A_101 = tpu.vector_load %arg7[%swap3A_99, %swap3A_100] {strides = array<i32>} : memref<128x64xf32, #tpu.memory_space<vmem>>, vector<1x16xf32>,
          %swap3A_102 = vector.shape_cast %swap3A_101 : vector<1x16xf32> to vector<16xf32>
          %swap3A_103 = vector.shape_cast %mul3A_98 : vector<16xf32> to vector<1x16xf32>
          tpu.vector_store %arg7[%swap3A_99, %swap3A_100], %swap3A_103 {strides = array<i32>} : memref<128x64xf32, #tpu.memory_space<vmem>>, vector<1x16xf32>,
          %get3A_104 = arith.index_cast %scan3A_69 : i32 to index
          %get3A_105 = arith.constant 48 : index
          %get3A_106 = tpu.vector_load %arg7[%get3A_104, %get3A_105] {strides = array<i32>} : memref<128x64xf32, #tpu.memory_space<vmem>>, vector<1x16xf32>,
          %get3A_107 = vector.shape_cast %get3A_106 : vector<1x16xf32> to vector<16xf32>
          %mul3A_108 = arith.constant 8.000000e+00 : f32
          %mul3A_109 = vector.broadcast %mul3A_108 : f32 to vector<16xf32>
          %mul3A_110 = arith.mulf %get3A_107, %mul3A_109 : vector<16xf32>
          %swap3A_111 = arith.index_cast %scan3A_69 : i32 to index
          %swap3A_112 = arith.constant 48 : index
          %swap3A_113 = tpu.vector_load %arg7[%swap3A_111, %swap3A_112] {strides = array<i32>} : memref<128x64xf32, #tpu.memory_space<vmem>>, vector<1x16xf32>,
          %swap3A_114 = vector.shape_cast %swap3A_113 : vector<1x16xf32> to vector<16xf32>
          %swap3A_115 = vector.shape_cast %mul3A_110 : vector<16xf32> to vector<1x16xf32>
          tpu.vector_store %arg7[%swap3A_111, %swap3A_112], %swap3A_115 {strides = array<i32>} : memref<128x64xf32, #tpu.memory_space<vmem>>, vector<1x16xf32>,
          %scan3A_116 = arith.constant 1 : i32
          %scan3A_117 = arith.addi %scan3A_69, %scan3A_116 : i32
          %get3A_118 = arith.index_cast %scan3A_117 : i32 to index
          %get3A_119 = arith.constant 0 : index
          %get3A_120 = tpu.vector_load %arg7[%get3A_118, %get3A_119] {strides = array<i32>} : memref<128x64xf32, #tpu.memory_space<vmem>>, vector<1x16xf32>,
          %get3A_121 = vector.shape_cast %get3A_120 : vector<1x16xf32> to vector<16xf32>
          %mul3A_122 = arith.constant 8.000000e+00 : f32
          %mul3A_123 = vector.broadcast %mul3A_122 : f32 to vector<16xf32>
          %mul3A_124 = arith.mulf %get3A_121, %mul3A_123 : vector<16xf32>
          %swap3A_125 = arith.index_cast %scan3A_117 : i32 to index
          %swap3A_126 = arith.constant 0 : index
          %swap3A_127 = tpu.vector_load %arg7[%swap3A_125, %swap3A_126] {strides = array<i32>} : memref<128x64xf32, #tpu.memory_space<vmem>>, vector<1x16xf32>,
          %swap3A_128 = vector.shape_cast %swap3A_127 : vector<1x16xf32> to vector<16xf32>
          %swap3A_129 = vector.shape_cast %mul3A_124 : vector<16xf32> to vector<1x16xf32>
          tpu.vector_store %arg7[%swap3A_125, %swap3A_126], %swap3A_129 {strides = array<i32>} : memref<128x64xf32, #tpu.memory_space<vmem>>, vector<1x16xf32>,
          %get3A_130 = arith.index_cast %scan3A_117 : i32 to index
          %get3A_131 = arith.constant 16 : index
          %get3A_132 = tpu.vector_load %arg7[%get3A_130, %get3A_131] {strides = array<i32>} : memref<128x64xf32, #tpu.memory_space<vmem>>, vector<1x16xf32>,
          %get3A_133 = vector.shape_cast %get3A_132 : vector<1x16xf32> to vector<16xf32>
          %mul3A_134 = arith.constant 8.000000e+00 : f32
          %mul3A_135 = vector.broadcast %mul3A_134 : f32 to vector<16xf32>
          %mul3A_136 = arith.mulf %get3A_133, %mul3A_135 : vector<16xf32>
          %swap3A_137 = arith.index_cast %scan3A_117 : i32 to index
          %swap3A_138 = arith.constant 16 : index
          %swap3A_139 = tpu.vector_load %arg7[%swap3A_137, %swap3A_138] {strides = array<i32>} : memref<128x64xf32, #tpu.memory_space<vmem>>, vector<1x16xf32>,
          %swap3A_140 = vector.shape_cast %swap3A_139 : vector<1x16xf32> to vector<16xf32>
          %swap3A_141 = vector.shape_cast %mul3A_136 : vector<16xf32> to vector<1x16xf32>
          tpu.vector_store %arg7[%swap3A_137, %swap3A_138], %swap3A_141 {strides = array<i32>} : memref<128x64xf32, #tpu.memory_space<vmem>>, vector<1x16xf32>,
          %get3A_142 = arith.index_cast %scan3A_117 : i32 to index
          %get3A_143 = arith.constant 32 : index
          %get3A_144 = tpu.vector_load %arg7[%get3A_142, %get3A_143] {strides = array<i32>} : memref<128x64xf32, #tpu.memory_space<vmem>>, vector<1x16xf32>,
          %get3A_145 = vector.shape_cast %get3A_144 : vector<1x16xf32> to vector<16xf32>
          %mul3A_146 = arith.constant 8.000000e+00 : f32
          %mul3A_147 = vector.broadcast %mul3A_146 : f32 to vector<16xf32>
          %mul3A_148 = arith.mulf %get3A_145, %mul3A_147 : vector<16xf32>
          %swap3A_149 = arith.index_cast %scan3A_117 : i32 to index
          %swap3A_150 = arith.constant 32 : index
          %swap3A_151 = tpu.vector_load %arg7[%swap3A_149, %swap3A_150] {strides = array<i32>} : memref<128x64xf32, #tpu.memory_space<vmem>>, vector<1x16xf32>,
          %swap3A_152 = vector.shape_cast %swap3A_151 : vector<1x16xf32> to vector<16xf32>
          %swap3A_153 = vector.shape_cast %mul3A_148 : vector<16xf32> to vector<1x16xf32>
          tpu.vector_store %arg7[%swap3A_149, %swap3A_150], %swap3A_153 {strides = array<i32>} : memref<128x64xf32, #tpu.memory_space<vmem>>, vector<1x16xf32>,
          %get3A_154 = arith.index_cast %scan3A_117 : i32 to index
          %get3A_155 = arith.constant 48 : index
          %get3A_156 = tpu.vector_load %arg7[%get3A_154, %get3A_155] {strides = array<i32>} : memref<128x64xf32, #tpu.memory_space<vmem>>, vector<1x16xf32>,
          %get3A_157 = vector.shape_cast %get3A_156 : vector<1x16xf32> to vector<16xf32>
          %mul3A_158 = arith.constant 8.000000e+00 : f32
          %mul3A_159 = vector.broadcast %mul3A_158 : f32 to vector<16xf32>
          %mul3A_160 = arith.mulf %get3A_157, %mul3A_159 : vector<16xf32>
          %swap3A_161 = arith.index_cast %scan3A_117 : i32 to index
          %swap3A_162 = arith.constant 48 : index
          %swap3A_163 = tpu.vector_load %arg7[%swap3A_161, %swap3A_162] {strides = array<i32>} : memref<128x64xf32, #tpu.memory_space<vmem>>, vector<1x16xf32>,
          %swap3A_164 = vector.shape_cast %swap3A_163 : vector<1x16xf32> to vector<16xf32>
          %swap3A_165 = vector.shape_cast %mul3A_160 : vector<16xf32> to vector<1x16xf32>
          tpu.vector_store %arg7[%swap3A_161, %swap3A_162], %swap3A_165 {strides = array<i32>} : memref<128x64xf32, #tpu.memory_space<vmem>>, vector<1x16xf32>,
          %scan3A_166 = arith.constant 2 : i32
          %scan3A_167 = arith.addi %scan3A_69, %scan3A_166 : i32
          %get3A_168 = arith.index_cast %scan3A_167 : i32 to index
          %get3A_169 = arith.constant 0 : index
          %get3A_170 = tpu.vector_load %arg7[%get3A_168, %get3A_169] {strides = array<i32>} : memref<128x64xf32, #tpu.memory_space<vmem>>, vector<1x16xf32>,
          %get3A_171 = vector.shape_cast %get3A_170 : vector<1x16xf32> to vector<16xf32>
          %mul3A_172 = arith.constant 8.000000e+00 : f32
          %mul3A_173 = vector.broadcast %mul3A_172 : f32 to vector<16xf32>
          %mul3A_174 = arith.mulf %get3A_171, %mul3A_173 : vector<16xf32>
          %swap3A_175 = arith.index_cast %scan3A_167 : i32 to index
          %swap3A_176 = arith.constant 0 : index
          %swap3A_177 = tpu.vector_load %arg7[%swap3A_175, %swap3A_176] {strides = array<i32>} : memref<128x64xf32, #tpu.memory_space<vmem>>, vector<1x16xf32>,
          %swap3A_178 = vector.shape_cast %swap3A_177 : vector<1x16xf32> to vector<16xf32>
          %swap3A_179 = vector.shape_cast %mul3A_174 : vector<16xf32> to vector<1x16xf32>
          tpu.vector_store %arg7[%swap3A_175, %swap3A_176], %swap3A_179 {strides = array<i32>} : memref<128x64xf32, #tpu.memory_space<vmem>>, vector<1x16xf32>,
          %get3A_180 = arith.index_cast %scan3A_167 : i32 to index
          %get3A_181 = arith.constant 16 : index
          %get3A_182 = tpu.vector_load %arg7[%get3A_180, %get3A_181] {strides = array<i32>} : memref<128x64xf32, #tpu.memory_space<vmem>>, vector<1x16xf32>,
          %get3A_183 = vector.shape_cast %get3A_182 : vector<1x16xf32> to vector<16xf32>
          %mul3A_184 = arith.constant 8.000000e+00 : f32
          %mul3A_185 = vector.broadcast %mul3A_184 : f32 to vector<16xf32>
          %mul3A_186 = arith.mulf %get3A_183, %mul3A_185 : vector<16xf32>
          %swap3A_187 = arith.index_cast %scan3A_167 : i32 to index
          %swap3A_188 = arith.constant 16 : index
          %swap3A_189 = tpu.vector_load %arg7[%swap3A_187, %swap3A_188] {strides = array<i32>} : memref<128x64xf32, #tpu.memory_space<vmem>>, vector<1x16xf32>,
          %swap3A_190 = vector.shape_cast %swap3A_189 : vector<1x16xf32> to vector<16xf32>
          %swap3A_191 = vector.shape_cast %mul3A_186 : vector<16xf32> to vector<1x16xf32>
          tpu.vector_store %arg7[%swap3A_187, %swap3A_188], %swap3A_191 {strides = array<i32>} : memref<128x64xf32, #tpu.memory_space<vmem>>, vector<1x16xf32>,
          %get3A_192 = arith.index_cast %scan3A_167 : i32 to index
          %get3A_193 = arith.constant 32 : index
          %get3A_194 = tpu.vector_load %arg7[%get3A_192, %get3A_193] {strides = array<i32>} : memref<128x64xf32, #tpu.memory_space<vmem>>, vector<1x16xf32>,
          %get3A_195 = vector.shape_cast %get3A_194 : vector<1x16xf32> to vector<16xf32>
          %mul3A_196 = arith.constant 8.000000e+00 : f32
          %mul3A_197 = vector.broadcast %mul3A_196 : f32 to vector<16xf32>
          %mul3A_198 = arith.mulf %get3A_195, %mul3A_197 : vector<16xf32>
          %swap3A_199 = arith.index_cast %scan3A_167 : i32 to index
          %swap3A_200 = arith.constant 32 : index
          %swap3A_201 = tpu.vector_load %arg7[%swap3A_199, %swap3A_200] {strides = array<i32>} : memref<128x64xf32, #tpu.memory_space<vmem>>, vector<1x16xf32>,
          %swap3A_202 = vector.shape_cast %swap3A_201 : vector<1x16xf32> to vector<16xf32>
          %swap3A_203 = vector.shape_cast %mul3A_198 : vector<16xf32> to vector<1x16xf32>
          tpu.vector_store %arg7[%swap3A_199, %swap3A_200], %swap3A_203 {strides = array<i32>} : memref<128x64xf32, #tpu.memory_space<vmem>>, vector<1x16xf32>,
          %get3A_204 = arith.index_cast %scan3A_167 : i32 to index
          %get3A_205 = arith.constant 48 : index
          %get3A_206 = tpu.vector_load %arg7[%get3A_204, %get3A_205] {strides = array<i32>} : memref<128x64xf32, #tpu.memory_space<vmem>>, vector<1x16xf32>,
          %get3A_207 = vector.shape_cast %get3A_206 : vector<1x16xf32> to vector<16xf32>
          %mul3A_208 = arith.constant 8.000000e+00 : f32
          %mul3A_209 = vector.broadcast %mul3A_208 : f32 to vector<16xf32>
          %mul3A_210 = arith.mulf %get3A_207, %mul3A_209 : vector<16xf32>
          %swap3A_211 = arith.index_cast %scan3A_167 : i32 to index
          %swap3A_212 = arith.constant 48 : index
          %swap3A_213 = tpu.vector_load %arg7[%swap3A_211, %swap3A_212] {strides = array<i32>} : memref<128x64xf32, #tpu.memory_space<vmem>>, vector<1x16xf32>,
          %swap3A_214 = vector.shape_cast %swap3A_213 : vector<1x16xf32> to vector<16xf32>
          %swap3A_215 = vector.shape_cast %mul3A_210 : vector<16xf32> to vector<1x16xf32>
          tpu.vector_store %arg7[%swap3A_211, %swap3A_212], %swap3A_215 {strides = array<i32>} : memref<128x64xf32, #tpu.memory_space<vmem>>, vector<1x16xf32>,
          %scan3A_216 = arith.constant 3 : i32
          %scan3A_217 = arith.addi %scan3A_69, %scan3A_216 : i32
          %get3A_218 = arith.index_cast %scan3A_217 : i32 to index
          %get3A_219 = arith.constant 0 : index
          %get3A_220 = tpu.vector_load %arg7[%get3A_218, %get3A_219] {strides = array<i32>} : memref<128x64xf32, #tpu.memory_space<vmem>>, vector<1x16xf32>,
          %get3A_221 = vector.shape_cast %get3A_220 : vector<1x16xf32> to vector<16xf32>
          %mul3A_222 = arith.constant 8.000000e+00 : f32
          %mul3A_223 = vector.broadcast %mul3A_222 : f32 to vector<16xf32>
          %mul3A_224 = arith.mulf %get3A_221, %mul3A_223 : vector<16xf32>
          %swap3A_225 = arith.index_cast %scan3A_217 : i32 to index
          %swap3A_226 = arith.constant 0 : index
          %swap3A_227 = tpu.vector_load %arg7[%swap3A_225, %swap3A_226] {strides = array<i32>} : memref<128x64xf32, #tpu.memory_space<vmem>>, vector<1x16xf32>,
          %swap3A_228 = vector.shape_cast %swap3A_227 : vector<1x16xf32> to vector<16xf32>
          %swap3A_229 = vector.shape_cast %mul3A_224 : vector<16xf32> to vector<1x16xf32>
          tpu.vector_store %arg7[%swap3A_225, %swap3A_226], %swap3A_229 {strides = array<i32>} : memref<128x64xf32, #tpu.memory_space<vmem>>, vector<1x16xf32>,
          %get3A_230 = arith.index_cast %scan3A_217 : i32 to index
          %get3A_231 = arith.constant 16 : index
          %get3A_232 = tpu.vector_load %arg7[%get3A_230, %get3A_231] {strides = array<i32>} : memref<128x64xf32, #tpu.memory_space<vmem>>, vector<1x16xf32>,
          %get3A_233 = vector.shape_cast %get3A_232 : vector<1x16xf32> to vector<16xf32>
          %mul3A_234 = arith.constant 8.000000e+00 : f32
          %mul3A_235 = vector.broadcast %mul3A_234 : f32 to vector<16xf32>
          %mul3A_236 = arith.mulf %get3A_233, %mul3A_235 : vector<16xf32>
          %swap3A_237 = arith.index_cast %scan3A_217 : i32 to index
          %swap3A_238 = arith.constant 16 : index
          %swap3A_239 = tpu.vector_load %arg7[%swap3A_237, %swap3A_238] {strides = array<i32>} : memref<128x64xf32, #tpu.memory_space<vmem>>, vector<1x16xf32>,
          %swap3A_240 = vector.shape_cast %swap3A_239 : vector<1x16xf32> to vector<16xf32>
          %swap3A_241 = vector.shape_cast %mul3A_236 : vector<16xf32> to vector<1x16xf32>
          tpu.vector_store %arg7[%swap3A_237, %swap3A_238], %swap3A_241 {strides = array<i32>} : memref<128x64xf32, #tpu.memory_space<vmem>>, vector<1x16xf32>,
          %get3A_242 = arith.index_cast %scan3A_217 : i32 to index
          %get3A_243 = arith.constant 32 : index
          %get3A_244 = tpu.vector_load %arg7[%get3A_242, %get3A_243] {strides = array<i32>} : memref<128x64xf32, #tpu.memory_space<vmem>>, vector<1x16xf32>,
          %get3A_245 = vector.shape_cast %get3A_244 : vector<1x16xf32> to vector<16xf32>
          %mul3A_246 = arith.constant 8.000000e+00 : f32
          %mul3A_247 = vector.broadcast %mul3A_246 : f32 to vector<16xf32>
          %mul3A_248 = arith.mulf %get3A_245, %mul3A_247 : vector<16xf32>
          %swap3A_249 = arith.index_cast %scan3A_217 : i32 to index
          %swap3A_250 = arith.constant 32 : index
          %swap3A_251 = tpu.vector_load %arg7[%swap3A_249, %swap3A_250] {strides = array<i32>} : memref<128x64xf32, #tpu.memory_space<vmem>>, vector<1x16xf32>,
          %swap3A_252 = vector.shape_cast %swap3A_251 : vector<1x16xf32> to vector<16xf32>
          %swap3A_253 = vector.shape_cast %mul3A_248 : vector<16xf32> to vector<1x16xf32>
          tpu.vector_store %arg7[%swap3A_249, %swap3A_250], %swap3A_253 {strides = array<i32>} : memref<128x64xf32, #tpu.memory_space<vmem>>, vector<1x16xf32>,
          %get3A_254 = arith.index_cast %scan3A_217 : i32 to index
          %get3A_255 = arith.constant 48 : index
          %get3A_256 = tpu.vector_load %arg7[%get3A_254, %get3A_255] {strides = array<i32>} : memref<128x64xf32, #tpu.memory_space<vmem>>, vector<1x16xf32>,
          %get3A_257 = vector.shape_cast %get3A_256 : vector<1x16xf32> to vector<16xf32>
          %mul3A_258 = arith.constant 8.000000e+00 : f32
          %mul3A_259 = vector.broadcast %mul3A_258 : f32 to vector<16xf32>
          %mul3A_260 = arith.mulf %get3A_257, %mul3A_259 : vector<16xf32>
          %swap3A_261 = arith.index_cast %scan3A_217 : i32 to index
          %swap3A_262 = arith.constant 48 : index
          %swap3A_263 = tpu.vector_load %arg7[%swap3A_261, %swap3A_262] {strides = array<i32>} : memref<128x64xf32, #tpu.memory_space<vmem>>, vector<1x16xf32>,
          %swap3A_264 = vector.shape_cast %swap3A_263 : vector<1x16xf32> to vector<16xf32>
          %swap3A_265 = vector.shape_cast %mul3A_260 : vector<16xf32> to vector<1x16xf32>
          tpu.vector_store %arg7[%swap3A_261, %swap3A_262], %swap3A_265 {strides = array<i32>} : memref<128x64xf32, #tpu.memory_space<vmem>>, vector<1x16xf32>,
          %scan3A_266 = arith.constant 4 : i32
          %scan3A_267 = arith.addi %scan3A_69, %scan3A_266 : i32
          %get3A_268 = arith.index_cast %scan3A_267 : i32 to index
          %get3A_269 = arith.constant 0 : index
          %get3A_270 = tpu.vector_load %arg7[%get3A_268, %get3A_269] {strides = array<i32>} : memref<128x64xf32, #tpu.memory_space<vmem>>, vector<1x16xf32>,
          %get3A_271 = vector.shape_cast %get3A_270 : vector<1x16xf32> to vector<16xf32>
          %mul3A_272 = arith.constant 8.000000e+00 : f32
          %mul3A_273 = vector.broadcast %mul3A_272 : f32 to vector<16xf32>
          %mul3A_274 = arith.mulf %get3A_271, %mul3A_273 : vector<16xf32>
          %swap3A_275 = arith.index_cast %scan3A_267 : i32 to index
          %swap3A_276 = arith.constant 0 : index
          %swap3A_277 = tpu.vector_load %arg7[%swap3A_275, %swap3A_276] {strides = array<i32>} : memref<128x64xf32, #tpu.memory_space<vmem>>, vector<1x16xf32>,
          %swap3A_278 = vector.shape_cast %swap3A_277 : vector<1x16xf32> to vector<16xf32>
          %swap3A_279 = vector.shape_cast %mul3A_274 : vector<16xf32> to vector<1x16xf32>
          tpu.vector_store %arg7[%swap3A_275, %swap3A_276], %swap3A_279 {strides = array<i32>} : memref<128x64xf32, #tpu.memory_space<vmem>>, vector<1x16xf32>,
          %get3A_280 = arith.index_cast %scan3A_267 : i32 to index
          %get3A_281 = arith.constant 16 : index
          %get3A_282 = tpu.vector_load %arg7[%get3A_280, %get3A_281] {strides = array<i32>} : memref<128x64xf32, #tpu.memory_space<vmem>>, vector<1x16xf32>,
          %get3A_283 = vector.shape_cast %get3A_282 : vector<1x16xf32> to vector<16xf32>
          %mul3A_284 = arith.constant 8.000000e+00 : f32
          %mul3A_285 = vector.broadcast %mul3A_284 : f32 to vector<16xf32>
          %mul3A_286 = arith.mulf %get3A_283, %mul3A_285 : vector<16xf32>
          %swap3A_287 = arith.index_cast %scan3A_267 : i32 to index
          %swap3A_288 = arith.constant 16 : index
          %swap3A_289 = tpu.vector_load %arg7[%swap3A_287, %swap3A_288] {strides = array<i32>} : memref<128x64xf32, #tpu.memory_space<vmem>>, vector<1x16xf32>,
          %swap3A_290 = vector.shape_cast %swap3A_289 : vector<1x16xf32> to vector<16xf32>
          %swap3A_291 = vector.shape_cast %mul3A_286 : vector<16xf32> to vector<1x16xf32>
          tpu.vector_store %arg7[%swap3A_287, %swap3A_288], %swap3A_291 {strides = array<i32>} : memref<128x64xf32, #tpu.memory_space<vmem>>, vector<1x16xf32>,
          %get3A_292 = arith.index_cast %scan3A_267 : i32 to index
          %get3A_293 = arith.constant 32 : index
          %get3A_294 = tpu.vector_load %arg7[%get3A_292, %get3A_293] {strides = array<i32>} : memref<128x64xf32, #tpu.memory_space<vmem>>, vector<1x16xf32>,
          %get3A_295 = vector.shape_cast %get3A_294 : vector<1x16xf32> to vector<16xf32>
          %mul3A_296 = arith.constant 8.000000e+00 : f32
          %mul3A_297 = vector.broadcast %mul3A_296 : f32 to vector<16xf32>
          %mul3A_298 = arith.mulf %get3A_295, %mul3A_297 : vector<16xf32>
          %swap3A_299 = arith.index_cast %scan3A_267 : i32 to index
          %swap3A_300 = arith.constant 32 : index
          %swap3A_301 = tpu.vector_load %arg7[%swap3A_299, %swap3A_300] {strides = array<i32>} : memref<128x64xf32, #tpu.memory_space<vmem>>, vector<1x16xf32>,
          %swap3A_302 = vector.shape_cast %swap3A_301 : vector<1x16xf32> to vector<16xf32>
          %swap3A_303 = vector.shape_cast %mul3A_298 : vector<16xf32> to vector<1x16xf32>
          tpu.vector_store %arg7[%swap3A_299, %swap3A_300], %swap3A_303 {strides = array<i32>} : memref<128x64xf32, #tpu.memory_space<vmem>>, vector<1x16xf32>,
          %get3A_304 = arith.index_cast %scan3A_267 : i32 to index
          %get3A_305 = arith.constant 48 : index
          %get3A_306 = tpu.vector_load %arg7[%get3A_304, %get3A_305] {strides = array<i32>} : memref<128x64xf32, #tpu.memory_space<vmem>>, vector<1x16xf32>,
          %get3A_307 = vector.shape_cast %get3A_306 : vector<1x16xf32> to vector<16xf32>
          %mul3A_308 = arith.constant 8.000000e+00 : f32
          %mul3A_309 = vector.broadcast %mul3A_308 : f32 to vector<16xf32>
          %mul3A_310 = arith.mulf %get3A_307, %mul3A_309 : vector<16xf32>
          %swap3A_311 = arith.index_cast %scan3A_267 : i32 to index
          %swap3A_312 = arith.constant 48 : index
          %swap3A_313 = tpu.vector_load %arg7[%swap3A_311, %swap3A_312] {strides = array<i32>} : memref<128x64xf32, #tpu.memory_space<vmem>>, vector<1x16xf32>,
          %swap3A_314 = vector.shape_cast %swap3A_313 : vector<1x16xf32> to vector<16xf32>
          %swap3A_315 = vector.shape_cast %mul3A_310 : vector<16xf32> to vector<1x16xf32>
          tpu.vector_store %arg7[%swap3A_311, %swap3A_312], %swap3A_315 {strides = array<i32>} : memref<128x64xf32, #tpu.memory_space<vmem>>, vector<1x16xf32>,
          %scan3A_316 = arith.constant 5 : i32
          %scan3A_317 = arith.addi %scan3A_69, %scan3A_316 : i32
          %get3A_318 = arith.index_cast %scan3A_317 : i32 to index
          %get3A_319 = arith.constant 0 : index
          %get3A_320 = tpu.vector_load %arg7[%get3A_318, %get3A_319] {strides = array<i32>} : memref<128x64xf32, #tpu.memory_space<vmem>>, vector<1x16xf32>,
          %get3A_321 = vector.shape_cast %get3A_320 : vector<1x16xf32> to vector<16xf32>
          %mul3A_322 = arith.constant 8.000000e+00 : f32
          %mul3A_323 = vector.broadcast %mul3A_322 : f32 to vector<16xf32>
          %mul3A_324 = arith.mulf %get3A_321, %mul3A_323 : vector<16xf32>
          %swap3A_325 = arith.index_cast %scan3A_317 : i32 to index
          %swap3A_326 = arith.constant 0 : index
          %swap3A_327 = tpu.vector_load %arg7[%swap3A_325, %swap3A_326] {strides = array<i32>} : memref<128x64xf32, #tpu.memory_space<vmem>>, vector<1x16xf32>,
          %swap3A_328 = vector.shape_cast %swap3A_327 : vector<1x16xf32> to vector<16xf32>
          %swap3A_329 = vector.shape_cast %mul3A_324 : vector<16xf32> to vector<1x16xf32>
          tpu.vector_store %arg7[%swap3A_325, %swap3A_326], %swap3A_329 {strides = array<i32>} : memref<128x64xf32, #tpu.memory_space<vmem>>, vector<1x16xf32>,
          %get3A_330 = arith.index_cast %scan3A_317 : i32 to index
          %get3A_331 = arith.constant 16 : index
          %get3A_332 = tpu.vector_load %arg7[%get3A_330, %get3A_331] {strides = array<i32>} : memref<128x64xf32, #tpu.memory_space<vmem>>, vector<1x16xf32>,
          %get3A_333 = vector.shape_cast %get3A_332 : vector<1x16xf32> to vector<16xf32>
          %mul3A_334 = arith.constant 8.000000e+00 : f32
          %mul3A_335 = vector.broadcast %mul3A_334 : f32 to vector<16xf32>
          %mul3A_336 = arith.mulf %get3A_333, %mul3A_335 : vector<16xf32>
          %swap3A_337 = arith.index_cast %scan3A_317 : i32 to index
          %swap3A_338 = arith.constant 16 : index
          %swap3A_339 = tpu.vector_load %arg7[%swap3A_337, %swap3A_338] {strides = array<i32>} : memref<128x64xf32, #tpu.memory_space<vmem>>, vector<1x16xf32>,
          %swap3A_340 = vector.shape_cast %swap3A_339 : vector<1x16xf32> to vector<16xf32>
          %swap3A_341 = vector.shape_cast %mul3A_336 : vector<16xf32> to vector<1x16xf32>
          tpu.vector_store %arg7[%swap3A_337, %swap3A_338], %swap3A_341 {strides = array<i32>} : memref<128x64xf32, #tpu.memory_space<vmem>>, vector<1x16xf32>,
          %get3A_342 = arith.index_cast %scan3A_317 : i32 to index
          %get3A_343 = arith.constant 32 : index
          %get3A_344 = tpu.vector_load %arg7[%get3A_342, %get3A_343] {strides = array<i32>} : memref<128x64xf32, #tpu.memory_space<vmem>>, vector<1x16xf32>,
          %get3A_345 = vector.shape_cast %get3A_344 : vector<1x16xf32> to vector<16xf32>
          %mul3A_346 = arith.constant 8.000000e+00 : f32
          %mul3A_347 = vector.broadcast %mul3A_346 : f32 to vector<16xf32>
          %mul3A_348 = arith.mulf %get3A_345, %mul3A_347 : vector<16xf32>
          %swap3A_349 = arith.index_cast %scan3A_317 : i32 to index
          %swap3A_350 = arith.constant 32 : index
          %swap3A_351 = tpu.vector_load %arg7[%swap3A_349, %swap3A_350] {strides = array<i32>} : memref<128x64xf32, #tpu.memory_space<vmem>>, vector<1x16xf32>,
          %swap3A_352 = vector.shape_cast %swap3A_351 : vector<1x16xf32> to vector<16xf32>
          %swap3A_353 = vector.shape_cast %mul3A_348 : vector<16xf32> to vector<1x16xf32>
          tpu.vector_store %arg7[%swap3A_349, %swap3A_350], %swap3A_353 {strides = array<i32>} : memref<128x64xf32, #tpu.memory_space<vmem>>, vector<1x16xf32>,
          %get3A_354 = arith.index_cast %scan3A_317 : i32 to index
          %get3A_355 = arith.constant 48 : index
          %get3A_356 = tpu.vector_load %arg7[%get3A_354, %get3A_355] {strides = array<i32>} : memref<128x64xf32, #tpu.memory_space<vmem>>, vector<1x16xf32>,
          %get3A_357 = vector.shape_cast %get3A_356 : vector<1x16xf32> to vector<16xf32>
          %mul3A_358 = arith.constant 8.000000e+00 : f32
          %mul3A_359 = vector.broadcast %mul3A_358 : f32 to vector<16xf32>
          %mul3A_360 = arith.mulf %get3A_357, %mul3A_359 : vector<16xf32>
          %swap3A_361 = arith.index_cast %scan3A_317 : i32 to index
          %swap3A_362 = arith.constant 48 : index
          %swap3A_363 = tpu.vector_load %arg7[%swap3A_361, %swap3A_362] {strides = array<i32>} : memref<128x64xf32, #tpu.memory_space<vmem>>, vector<1x16xf32>,
          %swap3A_364 = vector.shape_cast %swap3A_363 : vector<1x16xf32> to vector<16xf32>
          %swap3A_365 = vector.shape_cast %mul3A_360 : vector<16xf32> to vector<1x16xf32>
          tpu.vector_store %arg7[%swap3A_361, %swap3A_362], %swap3A_365 {strides = array<i32>} : memref<128x64xf32, #tpu.memory_space<vmem>>, vector<1x16xf32>,
          %scan3A_366 = arith.constant 6 : i32
          %scan3A_367 = arith.addi %scan3A_69, %scan3A_366 : i32
          %get3A_368 = arith.index_cast %scan3A_367 : i32 to index
          %get3A_369 = arith.constant 0 : index
          %get3A_370 = tpu.vector_load %arg7[%get3A_368, %get3A_369] {strides = array<i32>} : memref<128x64xf32, #tpu.memory_space<vmem>>, vector<1x16xf32>,
          %get3A_371 = vector.shape_cast %get3A_370 : vector<1x16xf32> to vector<16xf32>
          %mul3A_372 = arith.constant 8.000000e+00 : f32
          %mul3A_373 = vector.broadcast %mul3A_372 : f32 to vector<16xf32>
          %mul3A_374 = arith.mulf %get3A_371, %mul3A_373 : vector<16xf32>
          %swap3A_375 = arith.index_cast %scan3A_367 : i32 to index
          %swap3A_376 = arith.constant 0 : index
          %swap3A_377 = tpu.vector_load %arg7[%swap3A_375, %swap3A_376] {strides = array<i32>} : memref<128x64xf32, #tpu.memory_space<vmem>>, vector<1x16xf32>,
          %swap3A_378 = vector.shape_cast %swap3A_377 : vector<1x16xf32> to vector<16xf32>
          %swap3A_379 = vector.shape_cast %mul3A_374 : vector<16xf32> to vector<1x16xf32>
          tpu.vector_store %arg7[%swap3A_375, %swap3A_376], %swap3A_379 {strides = array<i32>} : memref<128x64xf32, #tpu.memory_space<vmem>>, vector<1x16xf32>,
          %get3A_380 = arith.index_cast %scan3A_367 : i32 to index
          %get3A_381 = arith.constant 16 : index
          %get3A_382 = tpu.vector_load %arg7[%get3A_380, %get3A_381] {strides = array<i32>} : memref<128x64xf32, #tpu.memory_space<vmem>>, vector<1x16xf32>,
          %get3A_383 = vector.shape_cast %get3A_382 : vector<1x16xf32> to vector<16xf32>
          %mul3A_384 = arith.constant 8.000000e+00 : f32
          %mul3A_385 = vector.broadcast %mul3A_384 : f32 to vector<16xf32>
          %mul3A_386 = arith.mulf %get3A_383, %mul3A_385 : vector<16xf32>
          %swap3A_387 = arith.index_cast %scan3A_367 : i32 to index
          %swap3A_388 = arith.constant 16 : index
          %swap3A_389 = tpu.vector_load %arg7[%swap3A_387, %swap3A_388] {strides = array<i32>} : memref<128x64xf32, #tpu.memory_space<vmem>>, vector<1x16xf32>,
          %swap3A_390 = vector.shape_cast %swap3A_389 : vector<1x16xf32> to vector<16xf32>
          %swap3A_391 = vector.shape_cast %mul3A_386 : vector<16xf32> to vector<1x16xf32>
          tpu.vector_store %arg7[%swap3A_387, %swap3A_388], %swap3A_391 {strides = array<i32>} : memref<128x64xf32, #tpu.memory_space<vmem>>, vector<1x16xf32>,
          %get3A_392 = arith.index_cast %scan3A_367 : i32 to index
          %get3A_393 = arith.constant 32 : index
          %get3A_394 = tpu.vector_load %arg7[%get3A_392, %get3A_393] {strides = array<i32>} : memref<128x64xf32, #tpu.memory_space<vmem>>, vector<1x16xf32>,
          %get3A_395 = vector.shape_cast %get3A_394 : vector<1x16xf32> to vector<16xf32>
          %mul3A_396 = arith.constant 8.000000e+00 : f32
          %mul3A_397 = vector.broadcast %mul3A_396 : f32 to vector<16xf32>
          %mul3A_398 = arith.mulf %get3A_395, %mul3A_397 : vector<16xf32>
          %swap3A_399 = arith.index_cast %scan3A_367 : i32 to index
          %swap3A_400 = arith.constant 32 : index
          %swap3A_401 = tpu.vector_load %arg7[%swap3A_399, %swap3A_400] {strides = array<i32>} : memref<128x64xf32, #tpu.memory_space<vmem>>, vector<1x16xf32>,
          %swap3A_402 = vector.shape_cast %swap3A_401 : vector<1x16xf32> to vector<16xf32>
          %swap3A_403 = vector.shape_cast %mul3A_398 : vector<16xf32> to vector<1x16xf32>
          tpu.vector_store %arg7[%swap3A_399, %swap3A_400], %swap3A_403 {strides = array<i32>} : memref<128x64xf32, #tpu.memory_space<vmem>>, vector<1x16xf32>,
          %get3A_404 = arith.index_cast %scan3A_367 : i32 to index
          %get3A_405 = arith.constant 48 : index
          %get3A_406 = tpu.vector_load %arg7[%get3A_404, %get3A_405] {strides = array<i32>} : memref<128x64xf32, #tpu.memory_space<vmem>>, vector<1x16xf32>,
          %get3A_407 = vector.shape_cast %get3A_406 : vector<1x16xf32> to vector<16xf32>
          %mul3A_408 = arith.constant 8.000000e+00 : f32
          %mul3A_409 = vector.broadcast %mul3A_408 : f32 to vector<16xf32>
          %mul3A_410 = arith.mulf %get3A_407, %mul3A_409 : vector<16xf32>
          %swap3A_411 = arith.index_cast %scan3A_367 : i32 to index
          %swap3A_412 = arith.constant 48 : index
          %swap3A_413 = tpu.vector_load %arg7[%swap3A_411, %swap3A_412] {strides = array<i32>} : memref<128x64xf32, #tpu.memory_space<vmem>>, vector<1x16xf32>,
          %swap3A_414 = vector.shape_cast %swap3A_413 : vector<1x16xf32> to vector<16xf32>
          %swap3A_415 = vector.shape_cast %mul3A_410 : vector<16xf32> to vector<1x16xf32>
          tpu.vector_store %arg7[%swap3A_411, %swap3A_412], %swap3A_415 {strides = array<i32>} : memref<128x64xf32, #tpu.memory_space<vmem>>, vector<1x16xf32>,
          %scan3A_416 = arith.constant 7 : i32
          %scan3A_417 = arith.addi %scan3A_69, %scan3A_416 : i32
          %get3A_418 = arith.index_cast %scan3A_417 : i32 to index
          %get3A_419 = arith.constant 0 : index
          %get3A_420 = tpu.vector_load %arg7[%get3A_418, %get3A_419] {strides = array<i32>} : memref<128x64xf32, #tpu.memory_space<vmem>>, vector<1x16xf32>,
          %get3A_421 = vector.shape_cast %get3A_420 : vector<1x16xf32> to vector<16xf32>
          %mul3A_422 = arith.constant 8.000000e+00 : f32
          %mul3A_423 = vector.broadcast %mul3A_422 : f32 to vector<16xf32>
          %mul3A_424 = arith.mulf %get3A_421, %mul3A_423 : vector<16xf32>
          %swap3A_425 = arith.index_cast %scan3A_417 : i32 to index
          %swap3A_426 = arith.constant 0 : index
          %swap3A_427 = tpu.vector_load %arg7[%swap3A_425, %swap3A_426] {strides = array<i32>} : memref<128x64xf32, #tpu.memory_space<vmem>>, vector<1x16xf32>,
          %swap3A_428 = vector.shape_cast %swap3A_427 : vector<1x16xf32> to vector<16xf32>
          %swap3A_429 = vector.shape_cast %mul3A_424 : vector<16xf32> to vector<1x16xf32>
          tpu.vector_store %arg7[%swap3A_425, %swap3A_426], %swap3A_429 {strides = array<i32>} : memref<128x64xf32, #tpu.memory_space<vmem>>, vector<1x16xf32>,
          %get3A_430 = arith.index_cast %scan3A_417 : i32 to index
          %get3A_431 = arith.constant 16 : index
          %get3A_432 = tpu.vector_load %arg7[%get3A_430, %get3A_431] {strides = array<i32>} : memref<128x64xf32, #tpu.memory_space<vmem>>, vector<1x16xf32>,
          %get3A_433 = vector.shape_cast %get3A_432 : vector<1x16xf32> to vector<16xf32>
          %mul3A_434 = arith.constant 8.000000e+00 : f32
          %mul3A_435 = vector.broadcast %mul3A_434 : f32 to vector<16xf32>
          %mul3A_436 = arith.mulf %get3A_433, %mul3A_435 : vector<16xf32>
          %swap3A_437 = arith.index_cast %scan3A_417 : i32 to index
          %swap3A_438 = arith.constant 16 : index
          %swap3A_439 = tpu.vector_load %arg7[%swap3A_437, %swap3A_438] {strides = array<i32>} : memref<128x64xf32, #tpu.memory_space<vmem>>, vector<1x16xf32>,
          %swap3A_440 = vector.shape_cast %swap3A_439 : vector<1x16xf32> to vector<16xf32>
          %swap3A_441 = vector.shape_cast %mul3A_436 : vector<16xf32> to vector<1x16xf32>
          tpu.vector_store %arg7[%swap3A_437, %swap3A_438], %swap3A_441 {strides = array<i32>} : memref<128x64xf32, #tpu.memory_space<vmem>>, vector<1x16xf32>,
          %get3A_442 = arith.index_cast %scan3A_417 : i32 to index
          %get3A_443 = arith.constant 32 : index
          %get3A_444 = tpu.vector_load %arg7[%get3A_442, %get3A_443] {strides = array<i32>} : memref<128x64xf32, #tpu.memory_space<vmem>>, vector<1x16xf32>,
          %get3A_445 = vector.shape_cast %get3A_444 : vector<1x16xf32> to vector<16xf32>
          %mul3A_446 = arith.constant 8.000000e+00 : f32
          %mul3A_447 = vector.broadcast %mul3A_446 : f32 to vector<16xf32>
          %mul3A_448 = arith.mulf %get3A_445, %mul3A_447 : vector<16xf32>
          %swap3A_449 = arith.index_cast %scan3A_417 : i32 to index
          %swap3A_450 = arith.constant 32 : index
          %swap3A_451 = tpu.vector_load %arg7[%swap3A_449, %swap3A_450] {strides = array<i32>} : memref<128x64xf32, #tpu.memory_space<vmem>>, vector<1x16xf32>,
          %swap3A_452 = vector.shape_cast %swap3A_451 : vector<1x16xf32> to vector<16xf32>
          %swap3A_453 = vector.shape_cast %mul3A_448 : vector<16xf32> to vector<1x16xf32>
          tpu.vector_store %arg7[%swap3A_449, %swap3A_450], %swap3A_453 {strides = array<i32>} : memref<128x64xf32, #tpu.memory_space<vmem>>, vector<1x16xf32>,
          %get3A_454 = arith.index_cast %scan3A_417 : i32 to index
          %get3A_455 = arith.constant 48 : index
          %get3A_456 = tpu.vector_load %arg7[%get3A_454, %get3A_455] {strides = array<i32>} : memref<128x64xf32, #tpu.memory_space<vmem>>, vector<1x16xf32>,
          %get3A_457 = vector.shape_cast %get3A_456 : vector<1x16xf32> to vector<16xf32>
          %mul3A_458 = arith.constant 8.000000e+00 : f32
          %mul3A_459 = vector.broadcast %mul3A_458 : f32 to vector<16xf32>
          %mul3A_460 = arith.mulf %get3A_457, %mul3A_459 : vector<16xf32>
          %swap3A_461 = arith.index_cast %scan3A_417 : i32 to index
          %swap3A_462 = arith.constant 48 : index
          %swap3A_463 = tpu.vector_load %arg7[%swap3A_461, %swap3A_462] {strides = array<i32>} : memref<128x64xf32, #tpu.memory_space<vmem>>, vector<1x16xf32>,
          %swap3A_464 = vector.shape_cast %swap3A_463 : vector<1x16xf32> to vector<16xf32>
          %swap3A_465 = vector.shape_cast %mul3A_460 : vector<16xf32> to vector<1x16xf32>
          tpu.vector_store %arg7[%swap3A_461, %swap3A_462], %swap3A_465 {strides = array<i32>} : memref<128x64xf32, #tpu.memory_space<vmem>>, vector<1x16xf32>,
        }
        %scan3A_65 = arith.constant 128 : i32
        %mul3A_66 = arith.constant 128 : i32
        %mul3A_67 = arith.muli %add3A_33, %mul3A_66 : i32
        %add3A_68 = arith.addi %mul3A_2, %mul3A_67 : i32
        "tpu.region"() ({
          %run_scoped3A = tpu.sem_alloc : memref<!tpu.dma_semaphore, #tpu.memory_space<semaphore_mem>>
          %dma_start3A_69 = arith.constant 0 : i32
          %dma_start3A_70 = tpu.memref_slice %arg4[%add3A_68, %dma_start3A_69] : memref<819200x64xf32, #tpu.memory_space<hbm>> -> memref<128x64xf32, #tpu.memory_space<hbm>>
          %dma_start3A_71 = arith.constant 0 : i32
          %dma_start3A_72 = tpu.memref_slice %arg4[%add3A_68, %dma_start3A_71] : memref<819200x64xf32, #tpu.memory_space<hbm>> -> memref<128x64xf32, #tpu.memory_space<hbm>>
          tpu.enqueue_dma source(%arg7 : memref<128x64xf32, #tpu.memory_space<vmem>>) target(%dma_start3A_72 : memref<128x64xf32, #tpu.memory_space<hbm>>) target_semaphore(%run_scoped3A : memref<!tpu.dma_semaphore, #tpu.memory_space<semaphore_mem>>)
          %dma_wait3A_73 = arith.constant 0 : i32
          %dma_wait3A_74 = tpu.memref_slice %arg4[%add3A_68, %dma_wait3A_73] : memref<819200x64xf32, #tpu.memory_space<hbm>> -> memref<128x64xf32, #tpu.memory_space<hbm>>
          %dma_wait3A_75 = arith.constant 0 : i32
          %dma_wait3A_76 = tpu.memref_slice %arg4[%add3A_68, %dma_wait3A_75] : memref<819200x64xf32, #tpu.memory_space<hbm>> -> memref<128x64xf32, #tpu.memory_space<hbm>>
          tpu.wait_dma2 semaphore(%run_scoped3A : memref<!tpu.dma_semaphore, #tpu.memory_space<semaphore_mem>>) src(%arg7 : memref<128x64xf32, #tpu.memory_space<vmem>>) dst(%dma_wait3A_76 : memref<128x64xf32, #tpu.memory_space<hbm>>)
          tpu.yield
        }) : () -> ()
      } else {
      }
      %mul3A_39 = arith.constant 3 : i32
      %mul3A_40 = arith.muli %scan3A_23, %mul3A_39 : i32
      %add3A_41 = arith.constant 2 : i32
      %add3A_42 = arith.addi %mul3A_40, %add3A_41 : i32
      %lt3A_43 = arith.constant 200 : i32
      %lt3A_44 = arith.cmpi slt, %add3A_42, %lt3A_43 : i32
      %convert_element_type3A_45 = arith.extui %lt3A_44 : i1 to i32
      %cond3A_46 = arith.constant 0 : i32
      %cond3A_47 = arith.cmpi ne, %convert_element_type3A_45, %cond3A_46 : i32
      scf.if %cond3A_47 {
        %add3A_48 = arith.constant 2 : i32
        %add3A_49 = arith.addi %add3A_42, %add3A_48 : i32
        %lt3A_50 = arith.constant 200 : i32
        %lt3A_51 = arith.cmpi slt, %add3A_49, %lt3A_50 : i32
        %convert_element_type3A_52 = arith.extui %lt3A_51 : i1 to i32
        %cond3A_53 = arith.constant 0 : i32
        %cond3A_54 = arith.cmpi ne, %convert_element_type3A_52, %cond3A_53 : i32
        scf.if %cond3A_54 {
          %add3A_69 = arith.constant 2 : i32
          %add3A_70 = arith.addi %add3A_42, %add3A_69 : i32
          %dma_start3A_71 = arith.constant 0 : i32
          %dma_start3A_72 = tpu.memref_slice %arg5[%add3A_70, %dma_start3A_71] : memref<200x128xi32, #tpu.memory_space<vmem>> -> memref<1x128xi32, #tpu.memory_space<vmem>>
          %dma_start3A_73 = tpu.memref_squeeze %dma_start3A_72 : memref<1x128xi32, #tpu.memory_space<vmem>> -> memref<128xi32, #tpu.memory_space<vmem>>
          %dma_start3A_74 = arith.constant 0 : i32
          %dma_start3A_75 = arith.constant 0 : i32
          %dma_start3A_76 = tpu.memref_slice %arg2[%dma_start3A_74, %dma_start3A_75] : memref<1000000x64xf32, #tpu.memory_space<hbm>> -> memref<1000000x64xf32, #tpu.memory_space<hbm>>
          tpu.enqueue_indirect_dma source(%dma_start3A_76 : memref<1000000x64xf32, #tpu.memory_space<hbm>>) target(%arg7 : memref<128x64xf32, #tpu.memory_space<vmem>>) offsets(%dma_start3A_73 : memref<128xi32, #tpu.memory_space<vmem>>) semaphore(%arg10 : memref<!tpu.dma_semaphore, #tpu.memory_space<semaphore_mem>>)
        } else {
        }
        %dma_wait3A = arith.constant 0 : i32
        %dma_wait3A_55 = tpu.memref_slice %arg5[%add3A_42, %dma_wait3A] : memref<200x128xi32, #tpu.memory_space<vmem>> -> memref<1x128xi32, #tpu.memory_space<vmem>>
        %dma_wait3A_56 = tpu.memref_squeeze %dma_wait3A_55 : memref<1x128xi32, #tpu.memory_space<vmem>> -> memref<128xi32, #tpu.memory_space<vmem>>
        %dma_wait3A_57 = arith.constant 0 : i32
        %dma_wait3A_58 = arith.constant 0 : i32
        %dma_wait3A_59 = tpu.memref_slice %arg2[%dma_wait3A_57, %dma_wait3A_58] : memref<1000000x64xf32, #tpu.memory_space<hbm>> -> memref<1000000x64xf32, #tpu.memory_space<hbm>>
        tpu.wait_indirect_dma semaphore(%arg11 : memref<!tpu.dma_semaphore, #tpu.memory_space<semaphore_mem>>) src(%dma_wait3A_59 : memref<1000000x64xf32, #tpu.memory_space<hbm>>) dst(%arg8 : memref<128x64xf32, #tpu.memory_space<vmem>>)
        %scan3A_60 = arith.constant 0 : i32
        %scan3A_61 = arith.constant 0 : i32
        %scan3A_62 = arith.constant 128 : i32
        %scan3A_63 = arith.addi %scan3A_61, %scan3A_62 : i32
        %scan3A_64 = arith.constant 8 : i32
        scf.for %scan3A_69 = %scan3A_61 to %scan3A_63 step %scan3A_64  : i32 {
          %get3A = arith.index_cast %scan3A_69 : i32 to index
          %get3A_70 = arith.constant 0 : index
          %get3A_71 = tpu.vector_load %arg8[%get3A, %get3A_70] {strides = array<i32>} : memref<128x64xf32, #tpu.memory_space<vmem>>, vector<1x16xf32>,
          %get3A_72 = vector.shape_cast %get3A_71 : vector<1x16xf32> to vector<16xf32>
          %mul3A_73 = arith.constant 8.000000e+00 : f32
          %mul3A_74 = vector.broadcast %mul3A_73 : f32 to vector<16xf32>
          %mul3A_75 = arith.mulf %get3A_72, %mul3A_74 : vector<16xf32>
          %swap3A = arith.index_cast %scan3A_69 : i32 to index
          %swap3A_76 = arith.constant 0 : index
          %swap3A_77 = tpu.vector_load %arg8[%swap3A, %swap3A_76] {strides = array<i32>} : memref<128x64xf32, #tpu.memory_space<vmem>>, vector<1x16xf32>,
          %swap3A_78 = vector.shape_cast %swap3A_77 : vector<1x16xf32> to vector<16xf32>
          %swap3A_79 = vector.shape_cast %mul3A_75 : vector<16xf32> to vector<1x16xf32>
          tpu.vector_store %arg8[%swap3A, %swap3A_76], %swap3A_79 {strides = array<i32>} : memref<128x64xf32, #tpu.memory_space<vmem>>, vector<1x16xf32>,
          %get3A_80 = arith.index_cast %scan3A_69 : i32 to index
          %get3A_81 = arith.constant 16 : index
          %get3A_82 = tpu.vector_load %arg8[%get3A_80, %get3A_81] {strides = array<i32>} : memref<128x64xf32, #tpu.memory_space<vmem>>, vector<1x16xf32>,
          %get3A_83 = vector.shape_cast %get3A_82 : vector<1x16xf32> to vector<16xf32>
          %mul3A_84 = arith.constant 8.000000e+00 : f32
          %mul3A_85 = vector.broadcast %mul3A_84 : f32 to vector<16xf32>
          %mul3A_86 = arith.mulf %get3A_83, %mul3A_85 : vector<16xf32>
          %swap3A_87 = arith.index_cast %scan3A_69 : i32 to index
          %swap3A_88 = arith.constant 16 : index
          %swap3A_89 = tpu.vector_load %arg8[%swap3A_87, %swap3A_88] {strides = array<i32>} : memref<128x64xf32, #tpu.memory_space<vmem>>, vector<1x16xf32>,
          %swap3A_90 = vector.shape_cast %swap3A_89 : vector<1x16xf32> to vector<16xf32>
          %swap3A_91 = vector.shape_cast %mul3A_86 : vector<16xf32> to vector<1x16xf32>
          tpu.vector_store %arg8[%swap3A_87, %swap3A_88], %swap3A_91 {strides = array<i32>} : memref<128x64xf32, #tpu.memory_space<vmem>>, vector<1x16xf32>,
          %get3A_92 = arith.index_cast %scan3A_69 : i32 to index
          %get3A_93 = arith.constant 32 : index
          %get3A_94 = tpu.vector_load %arg8[%get3A_92, %get3A_93] {strides = array<i32>} : memref<128x64xf32, #tpu.memory_space<vmem>>, vector<1x16xf32>,
          %get3A_95 = vector.shape_cast %get3A_94 : vector<1x16xf32> to vector<16xf32>
          %mul3A_96 = arith.constant 8.000000e+00 : f32
          %mul3A_97 = vector.broadcast %mul3A_96 : f32 to vector<16xf32>
          %mul3A_98 = arith.mulf %get3A_95, %mul3A_97 : vector<16xf32>
          %swap3A_99 = arith.index_cast %scan3A_69 : i32 to index
          %swap3A_100 = arith.constant 32 : index
          %swap3A_101 = tpu.vector_load %arg8[%swap3A_99, %swap3A_100] {strides = array<i32>} : memref<128x64xf32, #tpu.memory_space<vmem>>, vector<1x16xf32>,
          %swap3A_102 = vector.shape_cast %swap3A_101 : vector<1x16xf32> to vector<16xf32>
          %swap3A_103 = vector.shape_cast %mul3A_98 : vector<16xf32> to vector<1x16xf32>
          tpu.vector_store %arg8[%swap3A_99, %swap3A_100], %swap3A_103 {strides = array<i32>} : memref<128x64xf32, #tpu.memory_space<vmem>>, vector<1x16xf32>,
          %get3A_104 = arith.index_cast %scan3A_69 : i32 to index
          %get3A_105 = arith.constant 48 : index
          %get3A_106 = tpu.vector_load %arg8[%get3A_104, %get3A_105] {strides = array<i32>} : memref<128x64xf32, #tpu.memory_space<vmem>>, vector<1x16xf32>,
          %get3A_107 = vector.shape_cast %get3A_106 : vector<1x16xf32> to vector<16xf32>
          %mul3A_108 = arith.constant 8.000000e+00 : f32
          %mul3A_109 = vector.broadcast %mul3A_108 : f32 to vector<16xf32>
          %mul3A_110 = arith.mulf %get3A_107, %mul3A_109 : vector<16xf32>
          %swap3A_111 = arith.index_cast %scan3A_69 : i32 to index
          %swap3A_112 = arith.constant 48 : index
          %swap3A_113 = tpu.vector_load %arg8[%swap3A_111, %swap3A_112] {strides = array<i32>} : memref<128x64xf32, #tpu.memory_space<vmem>>, vector<1x16xf32>,
          %swap3A_114 = vector.shape_cast %swap3A_113 : vector<1x16xf32> to vector<16xf32>
          %swap3A_115 = vector.shape_cast %mul3A_110 : vector<16xf32> to vector<1x16xf32>
          tpu.vector_store %arg8[%swap3A_111, %swap3A_112], %swap3A_115 {strides = array<i32>} : memref<128x64xf32, #tpu.memory_space<vmem>>, vector<1x16xf32>,
          %scan3A_116 = arith.constant 1 : i32
          %scan3A_117 = arith.addi %scan3A_69, %scan3A_116 : i32
          %get3A_118 = arith.index_cast %scan3A_117 : i32 to index
          %get3A_119 = arith.constant 0 : index
          %get3A_120 = tpu.vector_load %arg8[%get3A_118, %get3A_119] {strides = array<i32>} : memref<128x64xf32, #tpu.memory_space<vmem>>, vector<1x16xf32>,
          %get3A_121 = vector.shape_cast %get3A_120 : vector<1x16xf32> to vector<16xf32>
          %mul3A_122 = arith.constant 8.000000e+00 : f32
          %mul3A_123 = vector.broadcast %mul3A_122 : f32 to vector<16xf32>
          %mul3A_124 = arith.mulf %get3A_121, %mul3A_123 : vector<16xf32>
          %swap3A_125 = arith.index_cast %scan3A_117 : i32 to index
          %swap3A_126 = arith.constant 0 : index
          %swap3A_127 = tpu.vector_load %arg8[%swap3A_125, %swap3A_126] {strides = array<i32>} : memref<128x64xf32, #tpu.memory_space<vmem>>, vector<1x16xf32>,
          %swap3A_128 = vector.shape_cast %swap3A_127 : vector<1x16xf32> to vector<16xf32>
          %swap3A_129 = vector.shape_cast %mul3A_124 : vector<16xf32> to vector<1x16xf32>
          tpu.vector_store %arg8[%swap3A_125, %swap3A_126], %swap3A_129 {strides = array<i32>} : memref<128x64xf32, #tpu.memory_space<vmem>>, vector<1x16xf32>,
          %get3A_130 = arith.index_cast %scan3A_117 : i32 to index
          %get3A_131 = arith.constant 16 : index
          %get3A_132 = tpu.vector_load %arg8[%get3A_130, %get3A_131] {strides = array<i32>} : memref<128x64xf32, #tpu.memory_space<vmem>>, vector<1x16xf32>,
          %get3A_133 = vector.shape_cast %get3A_132 : vector<1x16xf32> to vector<16xf32>
          %mul3A_134 = arith.constant 8.000000e+00 : f32
          %mul3A_135 = vector.broadcast %mul3A_134 : f32 to vector<16xf32>
          %mul3A_136 = arith.mulf %get3A_133, %mul3A_135 : vector<16xf32>
          %swap3A_137 = arith.index_cast %scan3A_117 : i32 to index
          %swap3A_138 = arith.constant 16 : index
          %swap3A_139 = tpu.vector_load %arg8[%swap3A_137, %swap3A_138] {strides = array<i32>} : memref<128x64xf32, #tpu.memory_space<vmem>>, vector<1x16xf32>,
          %swap3A_140 = vector.shape_cast %swap3A_139 : vector<1x16xf32> to vector<16xf32>
          %swap3A_141 = vector.shape_cast %mul3A_136 : vector<16xf32> to vector<1x16xf32>
          tpu.vector_store %arg8[%swap3A_137, %swap3A_138], %swap3A_141 {strides = array<i32>} : memref<128x64xf32, #tpu.memory_space<vmem>>, vector<1x16xf32>,
          %get3A_142 = arith.index_cast %scan3A_117 : i32 to index
          %get3A_143 = arith.constant 32 : index
          %get3A_144 = tpu.vector_load %arg8[%get3A_142, %get3A_143] {strides = array<i32>} : memref<128x64xf32, #tpu.memory_space<vmem>>, vector<1x16xf32>,
          %get3A_145 = vector.shape_cast %get3A_144 : vector<1x16xf32> to vector<16xf32>
          %mul3A_146 = arith.constant 8.000000e+00 : f32
          %mul3A_147 = vector.broadcast %mul3A_146 : f32 to vector<16xf32>
          %mul3A_148 = arith.mulf %get3A_145, %mul3A_147 : vector<16xf32>
          %swap3A_149 = arith.index_cast %scan3A_117 : i32 to index
          %swap3A_150 = arith.constant 32 : index
          %swap3A_151 = tpu.vector_load %arg8[%swap3A_149, %swap3A_150] {strides = array<i32>} : memref<128x64xf32, #tpu.memory_space<vmem>>, vector<1x16xf32>,
          %swap3A_152 = vector.shape_cast %swap3A_151 : vector<1x16xf32> to vector<16xf32>
          %swap3A_153 = vector.shape_cast %mul3A_148 : vector<16xf32> to vector<1x16xf32>
          tpu.vector_store %arg8[%swap3A_149, %swap3A_150], %swap3A_153 {strides = array<i32>} : memref<128x64xf32, #tpu.memory_space<vmem>>, vector<1x16xf32>,
          %get3A_154 = arith.index_cast %scan3A_117 : i32 to index
          %get3A_155 = arith.constant 48 : index
          %get3A_156 = tpu.vector_load %arg8[%get3A_154, %get3A_155] {strides = array<i32>} : memref<128x64xf32, #tpu.memory_space<vmem>>, vector<1x16xf32>,
          %get3A_157 = vector.shape_cast %get3A_156 : vector<1x16xf32> to vector<16xf32>
          %mul3A_158 = arith.constant 8.000000e+00 : f32
          %mul3A_159 = vector.broadcast %mul3A_158 : f32 to vector<16xf32>
          %mul3A_160 = arith.mulf %get3A_157, %mul3A_159 : vector<16xf32>
          %swap3A_161 = arith.index_cast %scan3A_117 : i32 to index
          %swap3A_162 = arith.constant 48 : index
          %swap3A_163 = tpu.vector_load %arg8[%swap3A_161, %swap3A_162] {strides = array<i32>} : memref<128x64xf32, #tpu.memory_space<vmem>>, vector<1x16xf32>,
          %swap3A_164 = vector.shape_cast %swap3A_163 : vector<1x16xf32> to vector<16xf32>
          %swap3A_165 = vector.shape_cast %mul3A_160 : vector<16xf32> to vector<1x16xf32>
          tpu.vector_store %arg8[%swap3A_161, %swap3A_162], %swap3A_165 {strides = array<i32>} : memref<128x64xf32, #tpu.memory_space<vmem>>, vector<1x16xf32>,
          %scan3A_166 = arith.constant 2 : i32
          %scan3A_167 = arith.addi %scan3A_69, %scan3A_166 : i32
          %get3A_168 = arith.index_cast %scan3A_167 : i32 to index
          %get3A_169 = arith.constant 0 : index
          %get3A_170 = tpu.vector_load %arg8[%get3A_168, %get3A_169] {strides = array<i32>} : memref<128x64xf32, #tpu.memory_space<vmem>>, vector<1x16xf32>,
          %get3A_171 = vector.shape_cast %get3A_170 : vector<1x16xf32> to vector<16xf32>
          %mul3A_172 = arith.constant 8.000000e+00 : f32
          %mul3A_173 = vector.broadcast %mul3A_172 : f32 to vector<16xf32>
          %mul3A_174 = arith.mulf %get3A_171, %mul3A_173 : vector<16xf32>
          %swap3A_175 = arith.index_cast %scan3A_167 : i32 to index
          %swap3A_176 = arith.constant 0 : index
          %swap3A_177 = tpu.vector_load %arg8[%swap3A_175, %swap3A_176] {strides = array<i32>} : memref<128x64xf32, #tpu.memory_space<vmem>>, vector<1x16xf32>,
          %swap3A_178 = vector.shape_cast %swap3A_177 : vector<1x16xf32> to vector<16xf32>
          %swap3A_179 = vector.shape_cast %mul3A_174 : vector<16xf32> to vector<1x16xf32>
          tpu.vector_store %arg8[%swap3A_175, %swap3A_176], %swap3A_179 {strides = array<i32>} : memref<128x64xf32, #tpu.memory_space<vmem>>, vector<1x16xf32>,
          %get3A_180 = arith.index_cast %scan3A_167 : i32 to index
          %get3A_181 = arith.constant 16 : index
          %get3A_182 = tpu.vector_load %arg8[%get3A_180, %get3A_181] {strides = array<i32>} : memref<128x64xf32, #tpu.memory_space<vmem>>, vector<1x16xf32>,
          %get3A_183 = vector.shape_cast %get3A_182 : vector<1x16xf32> to vector<16xf32>
          %mul3A_184 = arith.constant 8.000000e+00 : f32
          %mul3A_185 = vector.broadcast %mul3A_184 : f32 to vector<16xf32>
          %mul3A_186 = arith.mulf %get3A_183, %mul3A_185 : vector<16xf32>
          %swap3A_187 = arith.index_cast %scan3A_167 : i32 to index
          %swap3A_188 = arith.constant 16 : index
          %swap3A_189 = tpu.vector_load %arg8[%swap3A_187, %swap3A_188] {strides = array<i32>} : memref<128x64xf32, #tpu.memory_space<vmem>>, vector<1x16xf32>,
          %swap3A_190 = vector.shape_cast %swap3A_189 : vector<1x16xf32> to vector<16xf32>
          %swap3A_191 = vector.shape_cast %mul3A_186 : vector<16xf32> to vector<1x16xf32>
          tpu.vector_store %arg8[%swap3A_187, %swap3A_188], %swap3A_191 {strides = array<i32>} : memref<128x64xf32, #tpu.memory_space<vmem>>, vector<1x16xf32>,
          %get3A_192 = arith.index_cast %scan3A_167 : i32 to index
          %get3A_193 = arith.constant 32 : index
          %get3A_194 = tpu.vector_load %arg8[%get3A_192, %get3A_193] {strides = array<i32>} : memref<128x64xf32, #tpu.memory_space<vmem>>, vector<1x16xf32>,
          %get3A_195 = vector.shape_cast %get3A_194 : vector<1x16xf32> to vector<16xf32>
          %mul3A_196 = arith.constant 8.000000e+00 : f32
          %mul3A_197 = vector.broadcast %mul3A_196 : f32 to vector<16xf32>
          %mul3A_198 = arith.mulf %get3A_195, %mul3A_197 : vector<16xf32>
          %swap3A_199 = arith.index_cast %scan3A_167 : i32 to index
          %swap3A_200 = arith.constant 32 : index
          %swap3A_201 = tpu.vector_load %arg8[%swap3A_199, %swap3A_200] {strides = array<i32>} : memref<128x64xf32, #tpu.memory_space<vmem>>, vector<1x16xf32>,
          %swap3A_202 = vector.shape_cast %swap3A_201 : vector<1x16xf32> to vector<16xf32>
          %swap3A_203 = vector.shape_cast %mul3A_198 : vector<16xf32> to vector<1x16xf32>
          tpu.vector_store %arg8[%swap3A_199, %swap3A_200], %swap3A_203 {strides = array<i32>} : memref<128x64xf32, #tpu.memory_space<vmem>>, vector<1x16xf32>,
          %get3A_204 = arith.index_cast %scan3A_167 : i32 to index
          %get3A_205 = arith.constant 48 : index
          %get3A_206 = tpu.vector_load %arg8[%get3A_204, %get3A_205] {strides = array<i32>} : memref<128x64xf32, #tpu.memory_space<vmem>>, vector<1x16xf32>,
          %get3A_207 = vector.shape_cast %get3A_206 : vector<1x16xf32> to vector<16xf32>
          %mul3A_208 = arith.constant 8.000000e+00 : f32
          %mul3A_209 = vector.broadcast %mul3A_208 : f32 to vector<16xf32>
          %mul3A_210 = arith.mulf %get3A_207, %mul3A_209 : vector<16xf32>
          %swap3A_211 = arith.index_cast %scan3A_167 : i32 to index
          %swap3A_212 = arith.constant 48 : index
          %swap3A_213 = tpu.vector_load %arg8[%swap3A_211, %swap3A_212] {strides = array<i32>} : memref<128x64xf32, #tpu.memory_space<vmem>>, vector<1x16xf32>,
          %swap3A_214 = vector.shape_cast %swap3A_213 : vector<1x16xf32> to vector<16xf32>
          %swap3A_215 = vector.shape_cast %mul3A_210 : vector<16xf32> to vector<1x16xf32>
          tpu.vector_store %arg8[%swap3A_211, %swap3A_212], %swap3A_215 {strides = array<i32>} : memref<128x64xf32, #tpu.memory_space<vmem>>, vector<1x16xf32>,
          %scan3A_216 = arith.constant 3 : i32
          %scan3A_217 = arith.addi %scan3A_69, %scan3A_216 : i32
          %get3A_218 = arith.index_cast %scan3A_217 : i32 to index
          %get3A_219 = arith.constant 0 : index
          %get3A_220 = tpu.vector_load %arg8[%get3A_218, %get3A_219] {strides = array<i32>} : memref<128x64xf32, #tpu.memory_space<vmem>>, vector<1x16xf32>,
          %get3A_221 = vector.shape_cast %get3A_220 : vector<1x16xf32> to vector<16xf32>
          %mul3A_222 = arith.constant 8.000000e+00 : f32
          %mul3A_223 = vector.broadcast %mul3A_222 : f32 to vector<16xf32>
          %mul3A_224 = arith.mulf %get3A_221, %mul3A_223 : vector<16xf32>
          %swap3A_225 = arith.index_cast %scan3A_217 : i32 to index
          %swap3A_226 = arith.constant 0 : index
          %swap3A_227 = tpu.vector_load %arg8[%swap3A_225, %swap3A_226] {strides = array<i32>} : memref<128x64xf32, #tpu.memory_space<vmem>>, vector<1x16xf32>,
          %swap3A_228 = vector.shape_cast %swap3A_227 : vector<1x16xf32> to vector<16xf32>
          %swap3A_229 = vector.shape_cast %mul3A_224 : vector<16xf32> to vector<1x16xf32>
          tpu.vector_store %arg8[%swap3A_225, %swap3A_226], %swap3A_229 {strides = array<i32>} : memref<128x64xf32, #tpu.memory_space<vmem>>, vector<1x16xf32>,
          %get3A_230 = arith.index_cast %scan3A_217 : i32 to index
          %get3A_231 = arith.constant 16 : index
          %get3A_232 = tpu.vector_load %arg8[%get3A_230, %get3A_231] {strides = array<i32>} : memref<128x64xf32, #tpu.memory_space<vmem>>, vector<1x16xf32>,
          %get3A_233 = vector.shape_cast %get3A_232 : vector<1x16xf32> to vector<16xf32>
          %mul3A_234 = arith.constant 8.000000e+00 : f32
          %mul3A_235 = vector.broadcast %mul3A_234 : f32 to vector<16xf32>
          %mul3A_236 = arith.mulf %get3A_233, %mul3A_235 : vector<16xf32>
          %swap3A_237 = arith.index_cast %scan3A_217 : i32 to index
          %swap3A_238 = arith.constant 16 : index
          %swap3A_239 = tpu.vector_load %arg8[%swap3A_237, %swap3A_238] {strides = array<i32>} : memref<128x64xf32, #tpu.memory_space<vmem>>, vector<1x16xf32>,
          %swap3A_240 = vector.shape_cast %swap3A_239 : vector<1x16xf32> to vector<16xf32>
          %swap3A_241 = vector.shape_cast %mul3A_236 : vector<16xf32> to vector<1x16xf32>
          tpu.vector_store %arg8[%swap3A_237, %swap3A_238], %swap3A_241 {strides = array<i32>} : memref<128x64xf32, #tpu.memory_space<vmem>>, vector<1x16xf32>,
          %get3A_242 = arith.index_cast %scan3A_217 : i32 to index
          %get3A_243 = arith.constant 32 : index
          %get3A_244 = tpu.vector_load %arg8[%get3A_242, %get3A_243] {strides = array<i32>} : memref<128x64xf32, #tpu.memory_space<vmem>>, vector<1x16xf32>,
          %get3A_245 = vector.shape_cast %get3A_244 : vector<1x16xf32> to vector<16xf32>
          %mul3A_246 = arith.constant 8.000000e+00 : f32
          %mul3A_247 = vector.broadcast %mul3A_246 : f32 to vector<16xf32>
          %mul3A_248 = arith.mulf %get3A_245, %mul3A_247 : vector<16xf32>
          %swap3A_249 = arith.index_cast %scan3A_217 : i32 to index
          %swap3A_250 = arith.constant 32 : index
          %swap3A_251 = tpu.vector_load %arg8[%swap3A_249, %swap3A_250] {strides = array<i32>} : memref<128x64xf32, #tpu.memory_space<vmem>>, vector<1x16xf32>,
          %swap3A_252 = vector.shape_cast %swap3A_251 : vector<1x16xf32> to vector<16xf32>
          %swap3A_253 = vector.shape_cast %mul3A_248 : vector<16xf32> to vector<1x16xf32>
          tpu.vector_store %arg8[%swap3A_249, %swap3A_250], %swap3A_253 {strides = array<i32>} : memref<128x64xf32, #tpu.memory_space<vmem>>, vector<1x16xf32>,
          %get3A_254 = arith.index_cast %scan3A_217 : i32 to index
          %get3A_255 = arith.constant 48 : index
          %get3A_256 = tpu.vector_load %arg8[%get3A_254, %get3A_255] {strides = array<i32>} : memref<128x64xf32, #tpu.memory_space<vmem>>, vector<1x16xf32>,
          %get3A_257 = vector.shape_cast %get3A_256 : vector<1x16xf32> to vector<16xf32>
          %mul3A_258 = arith.constant 8.000000e+00 : f32
          %mul3A_259 = vector.broadcast %mul3A_258 : f32 to vector<16xf32>
          %mul3A_260 = arith.mulf %get3A_257, %mul3A_259 : vector<16xf32>
          %swap3A_261 = arith.index_cast %scan3A_217 : i32 to index
          %swap3A_262 = arith.constant 48 : index
          %swap3A_263 = tpu.vector_load %arg8[%swap3A_261, %swap3A_262] {strides = array<i32>} : memref<128x64xf32, #tpu.memory_space<vmem>>, vector<1x16xf32>,
          %swap3A_264 = vector.shape_cast %swap3A_263 : vector<1x16xf32> to vector<16xf32>
          %swap3A_265 = vector.shape_cast %mul3A_260 : vector<16xf32> to vector<1x16xf32>
          tpu.vector_store %arg8[%swap3A_261, %swap3A_262], %swap3A_265 {strides = array<i32>} : memref<128x64xf32, #tpu.memory_space<vmem>>, vector<1x16xf32>,
          %scan3A_266 = arith.constant 4 : i32
          %scan3A_267 = arith.addi %scan3A_69, %scan3A_266 : i32
          %get3A_268 = arith.index_cast %scan3A_267 : i32 to index
          %get3A_269 = arith.constant 0 : index
          %get3A_270 = tpu.vector_load %arg8[%get3A_268, %get3A_269] {strides = array<i32>} : memref<128x64xf32, #tpu.memory_space<vmem>>, vector<1x16xf32>,
          %get3A_271 = vector.shape_cast %get3A_270 : vector<1x16xf32> to vector<16xf32>
          %mul3A_272 = arith.constant 8.000000e+00 : f32
          %mul3A_273 = vector.broadcast %mul3A_272 : f32 to vector<16xf32>
          %mul3A_274 = arith.mulf %get3A_271, %mul3A_273 : vector<16xf32>
          %swap3A_275 = arith.index_cast %scan3A_267 : i32 to index
          %swap3A_276 = arith.constant 0 : index
          %swap3A_277 = tpu.vector_load %arg8[%swap3A_275, %swap3A_276] {strides = array<i32>} : memref<128x64xf32, #tpu.memory_space<vmem>>, vector<1x16xf32>,
          %swap3A_278 = vector.shape_cast %swap3A_277 : vector<1x16xf32> to vector<16xf32>
          %swap3A_279 = vector.shape_cast %mul3A_274 : vector<16xf32> to vector<1x16xf32>
          tpu.vector_store %arg8[%swap3A_275, %swap3A_276], %swap3A_279 {strides = array<i32>} : memref<128x64xf32, #tpu.memory_space<vmem>>, vector<1x16xf32>,
          %get3A_280 = arith.index_cast %scan3A_267 : i32 to index
          %get3A_281 = arith.constant 16 : index
          %get3A_282 = tpu.vector_load %arg8[%get3A_280, %get3A_281] {strides = array<i32>} : memref<128x64xf32, #tpu.memory_space<vmem>>, vector<1x16xf32>,
          %get3A_283 = vector.shape_cast %get3A_282 : vector<1x16xf32> to vector<16xf32>
          %mul3A_284 = arith.constant 8.000000e+00 : f32
          %mul3A_285 = vector.broadcast %mul3A_284 : f32 to vector<16xf32>
          %mul3A_286 = arith.mulf %get3A_283, %mul3A_285 : vector<16xf32>
          %swap3A_287 = arith.index_cast %scan3A_267 : i32 to index
          %swap3A_288 = arith.constant 16 : index
          %swap3A_289 = tpu.vector_load %arg8[%swap3A_287, %swap3A_288] {strides = array<i32>} : memref<128x64xf32, #tpu.memory_space<vmem>>, vector<1x16xf32>,
          %swap3A_290 = vector.shape_cast %swap3A_289 : vector<1x16xf32> to vector<16xf32>
          %swap3A_291 = vector.shape_cast %mul3A_286 : vector<16xf32> to vector<1x16xf32>
          tpu.vector_store %arg8[%swap3A_287, %swap3A_288], %swap3A_291 {strides = array<i32>} : memref<128x64xf32, #tpu.memory_space<vmem>>, vector<1x16xf32>,
          %get3A_292 = arith.index_cast %scan3A_267 : i32 to index
          %get3A_293 = arith.constant 32 : index
          %get3A_294 = tpu.vector_load %arg8[%get3A_292, %get3A_293] {strides = array<i32>} : memref<128x64xf32, #tpu.memory_space<vmem>>, vector<1x16xf32>,
          %get3A_295 = vector.shape_cast %get3A_294 : vector<1x16xf32> to vector<16xf32>
          %mul3A_296 = arith.constant 8.000000e+00 : f32
          %mul3A_297 = vector.broadcast %mul3A_296 : f32 to vector<16xf32>
          %mul3A_298 = arith.mulf %get3A_295, %mul3A_297 : vector<16xf32>
          %swap3A_299 = arith.index_cast %scan3A_267 : i32 to index
          %swap3A_300 = arith.constant 32 : index
          %swap3A_301 = tpu.vector_load %arg8[%swap3A_299, %swap3A_300] {strides = array<i32>} : memref<128x64xf32, #tpu.memory_space<vmem>>, vector<1x16xf32>,
          %swap3A_302 = vector.shape_cast %swap3A_301 : vector<1x16xf32> to vector<16xf32>
          %swap3A_303 = vector.shape_cast %mul3A_298 : vector<16xf32> to vector<1x16xf32>
          tpu.vector_store %arg8[%swap3A_299, %swap3A_300], %swap3A_303 {strides = array<i32>} : memref<128x64xf32, #tpu.memory_space<vmem>>, vector<1x16xf32>,
          %get3A_304 = arith.index_cast %scan3A_267 : i32 to index
          %get3A_305 = arith.constant 48 : index
          %get3A_306 = tpu.vector_load %arg8[%get3A_304, %get3A_305] {strides = array<i32>} : memref<128x64xf32, #tpu.memory_space<vmem>>, vector<1x16xf32>,
          %get3A_307 = vector.shape_cast %get3A_306 : vector<1x16xf32> to vector<16xf32>
          %mul3A_308 = arith.constant 8.000000e+00 : f32
          %mul3A_309 = vector.broadcast %mul3A_308 : f32 to vector<16xf32>
          %mul3A_310 = arith.mulf %get3A_307, %mul3A_309 : vector<16xf32>
          %swap3A_311 = arith.index_cast %scan3A_267 : i32 to index
          %swap3A_312 = arith.constant 48 : index
          %swap3A_313 = tpu.vector_load %arg8[%swap3A_311, %swap3A_312] {strides = array<i32>} : memref<128x64xf32, #tpu.memory_space<vmem>>, vector<1x16xf32>,
          %swap3A_314 = vector.shape_cast %swap3A_313 : vector<1x16xf32> to vector<16xf32>
          %swap3A_315 = vector.shape_cast %mul3A_310 : vector<16xf32> to vector<1x16xf32>
          tpu.vector_store %arg8[%swap3A_311, %swap3A_312], %swap3A_315 {strides = array<i32>} : memref<128x64xf32, #tpu.memory_space<vmem>>, vector<1x16xf32>,
          %scan3A_316 = arith.constant 5 : i32
          %scan3A_317 = arith.addi %scan3A_69, %scan3A_316 : i32
          %get3A_318 = arith.index_cast %scan3A_317 : i32 to index
          %get3A_319 = arith.constant 0 : index
          %get3A_320 = tpu.vector_load %arg8[%get3A_318, %get3A_319] {strides = array<i32>} : memref<128x64xf32, #tpu.memory_space<vmem>>, vector<1x16xf32>,
          %get3A_321 = vector.shape_cast %get3A_320 : vector<1x16xf32> to vector<16xf32>
          %mul3A_322 = arith.constant 8.000000e+00 : f32
          %mul3A_323 = vector.broadcast %mul3A_322 : f32 to vector<16xf32>
          %mul3A_324 = arith.mulf %get3A_321, %mul3A_323 : vector<16xf32>
          %swap3A_325 = arith.index_cast %scan3A_317 : i32 to index
          %swap3A_326 = arith.constant 0 : index
          %swap3A_327 = tpu.vector_load %arg8[%swap3A_325, %swap3A_326] {strides = array<i32>} : memref<128x64xf32, #tpu.memory_space<vmem>>, vector<1x16xf32>,
          %swap3A_328 = vector.shape_cast %swap3A_327 : vector<1x16xf32> to vector<16xf32>
          %swap3A_329 = vector.shape_cast %mul3A_324 : vector<16xf32> to vector<1x16xf32>
          tpu.vector_store %arg8[%swap3A_325, %swap3A_326], %swap3A_329 {strides = array<i32>} : memref<128x64xf32, #tpu.memory_space<vmem>>, vector<1x16xf32>,
          %get3A_330 = arith.index_cast %scan3A_317 : i32 to index
          %get3A_331 = arith.constant 16 : index
          %get3A_332 = tpu.vector_load %arg8[%get3A_330, %get3A_331] {strides = array<i32>} : memref<128x64xf32, #tpu.memory_space<vmem>>, vector<1x16xf32>,
          %get3A_333 = vector.shape_cast %get3A_332 : vector<1x16xf32> to vector<16xf32>
          %mul3A_334 = arith.constant 8.000000e+00 : f32
          %mul3A_335 = vector.broadcast %mul3A_334 : f32 to vector<16xf32>
          %mul3A_336 = arith.mulf %get3A_333, %mul3A_335 : vector<16xf32>
          %swap3A_337 = arith.index_cast %scan3A_317 : i32 to index
          %swap3A_338 = arith.constant 16 : index
          %swap3A_339 = tpu.vector_load %arg8[%swap3A_337, %swap3A_338] {strides = array<i32>} : memref<128x64xf32, #tpu.memory_space<vmem>>, vector<1x16xf32>,
          %swap3A_340 = vector.shape_cast %swap3A_339 : vector<1x16xf32> to vector<16xf32>
          %swap3A_341 = vector.shape_cast %mul3A_336 : vector<16xf32> to vector<1x16xf32>
          tpu.vector_store %arg8[%swap3A_337, %swap3A_338], %swap3A_341 {strides = array<i32>} : memref<128x64xf32, #tpu.memory_space<vmem>>, vector<1x16xf32>,
          %get3A_342 = arith.index_cast %scan3A_317 : i32 to index
          %get3A_343 = arith.constant 32 : index
          %get3A_344 = tpu.vector_load %arg8[%get3A_342, %get3A_343] {strides = array<i32>} : memref<128x64xf32, #tpu.memory_space<vmem>>, vector<1x16xf32>,
          %get3A_345 = vector.shape_cast %get3A_344 : vector<1x16xf32> to vector<16xf32>
          %mul3A_346 = arith.constant 8.000000e+00 : f32
          %mul3A_347 = vector.broadcast %mul3A_346 : f32 to vector<16xf32>
          %mul3A_348 = arith.mulf %get3A_345, %mul3A_347 : vector<16xf32>
          %swap3A_349 = arith.index_cast %scan3A_317 : i32 to index
          %swap3A_350 = arith.constant 32 : index
          %swap3A_351 = tpu.vector_load %arg8[%swap3A_349, %swap3A_350] {strides = array<i32>} : memref<128x64xf32, #tpu.memory_space<vmem>>, vector<1x16xf32>,
          %swap3A_352 = vector.shape_cast %swap3A_351 : vector<1x16xf32> to vector<16xf32>
          %swap3A_353 = vector.shape_cast %mul3A_348 : vector<16xf32> to vector<1x16xf32>
          tpu.vector_store %arg8[%swap3A_349, %swap3A_350], %swap3A_353 {strides = array<i32>} : memref<128x64xf32, #tpu.memory_space<vmem>>, vector<1x16xf32>,
          %get3A_354 = arith.index_cast %scan3A_317 : i32 to index
          %get3A_355 = arith.constant 48 : index
          %get3A_356 = tpu.vector_load %arg8[%get3A_354, %get3A_355] {strides = array<i32>} : memref<128x64xf32, #tpu.memory_space<vmem>>, vector<1x16xf32>,
          %get3A_357 = vector.shape_cast %get3A_356 : vector<1x16xf32> to vector<16xf32>
          %mul3A_358 = arith.constant 8.000000e+00 : f32
          %mul3A_359 = vector.broadcast %mul3A_358 : f32 to vector<16xf32>
          %mul3A_360 = arith.mulf %get3A_357, %mul3A_359 : vector<16xf32>
          %swap3A_361 = arith.index_cast %scan3A_317 : i32 to index
          %swap3A_362 = arith.constant 48 : index
          %swap3A_363 = tpu.vector_load %arg8[%swap3A_361, %swap3A_362] {strides = array<i32>} : memref<128x64xf32, #tpu.memory_space<vmem>>, vector<1x16xf32>,
          %swap3A_364 = vector.shape_cast %swap3A_363 : vector<1x16xf32> to vector<16xf32>
          %swap3A_365 = vector.shape_cast %mul3A_360 : vector<16xf32> to vector<1x16xf32>
          tpu.vector_store %arg8[%swap3A_361, %swap3A_362], %swap3A_365 {strides = array<i32>} : memref<128x64xf32, #tpu.memory_space<vmem>>, vector<1x16xf32>,
          %scan3A_366 = arith.constant 6 : i32
          %scan3A_367 = arith.addi %scan3A_69, %scan3A_366 : i32
          %get3A_368 = arith.index_cast %scan3A_367 : i32 to index
          %get3A_369 = arith.constant 0 : index
          %get3A_370 = tpu.vector_load %arg8[%get3A_368, %get3A_369] {strides = array<i32>} : memref<128x64xf32, #tpu.memory_space<vmem>>, vector<1x16xf32>,
          %get3A_371 = vector.shape_cast %get3A_370 : vector<1x16xf32> to vector<16xf32>
          %mul3A_372 = arith.constant 8.000000e+00 : f32
          %mul3A_373 = vector.broadcast %mul3A_372 : f32 to vector<16xf32>
          %mul3A_374 = arith.mulf %get3A_371, %mul3A_373 : vector<16xf32>
          %swap3A_375 = arith.index_cast %scan3A_367 : i32 to index
          %swap3A_376 = arith.constant 0 : index
          %swap3A_377 = tpu.vector_load %arg8[%swap3A_375, %swap3A_376] {strides = array<i32>} : memref<128x64xf32, #tpu.memory_space<vmem>>, vector<1x16xf32>,
          %swap3A_378 = vector.shape_cast %swap3A_377 : vector<1x16xf32> to vector<16xf32>
          %swap3A_379 = vector.shape_cast %mul3A_374 : vector<16xf32> to vector<1x16xf32>
          tpu.vector_store %arg8[%swap3A_375, %swap3A_376], %swap3A_379 {strides = array<i32>} : memref<128x64xf32, #tpu.memory_space<vmem>>, vector<1x16xf32>,
          %get3A_380 = arith.index_cast %scan3A_367 : i32 to index
          %get3A_381 = arith.constant 16 : index
          %get3A_382 = tpu.vector_load %arg8[%get3A_380, %get3A_381] {strides = array<i32>} : memref<128x64xf32, #tpu.memory_space<vmem>>, vector<1x16xf32>,
          %get3A_383 = vector.shape_cast %get3A_382 : vector<1x16xf32> to vector<16xf32>
          %mul3A_384 = arith.constant 8.000000e+00 : f32
          %mul3A_385 = vector.broadcast %mul3A_384 : f32 to vector<16xf32>
          %mul3A_386 = arith.mulf %get3A_383, %mul3A_385 : vector<16xf32>
          %swap3A_387 = arith.index_cast %scan3A_367 : i32 to index
          %swap3A_388 = arith.constant 16 : index
          %swap3A_389 = tpu.vector_load %arg8[%swap3A_387, %swap3A_388] {strides = array<i32>} : memref<128x64xf32, #tpu.memory_space<vmem>>, vector<1x16xf32>,
          %swap3A_390 = vector.shape_cast %swap3A_389 : vector<1x16xf32> to vector<16xf32>
          %swap3A_391 = vector.shape_cast %mul3A_386 : vector<16xf32> to vector<1x16xf32>
          tpu.vector_store %arg8[%swap3A_387, %swap3A_388], %swap3A_391 {strides = array<i32>} : memref<128x64xf32, #tpu.memory_space<vmem>>, vector<1x16xf32>,
          %get3A_392 = arith.index_cast %scan3A_367 : i32 to index
          %get3A_393 = arith.constant 32 : index
          %get3A_394 = tpu.vector_load %arg8[%get3A_392, %get3A_393] {strides = array<i32>} : memref<128x64xf32, #tpu.memory_space<vmem>>, vector<1x16xf32>,
          %get3A_395 = vector.shape_cast %get3A_394 : vector<1x16xf32> to vector<16xf32>
          %mul3A_396 = arith.constant 8.000000e+00 : f32
          %mul3A_397 = vector.broadcast %mul3A_396 : f32 to vector<16xf32>
          %mul3A_398 = arith.mulf %get3A_395, %mul3A_397 : vector<16xf32>
          %swap3A_399 = arith.index_cast %scan3A_367 : i32 to index
          %swap3A_400 = arith.constant 32 : index
          %swap3A_401 = tpu.vector_load %arg8[%swap3A_399, %swap3A_400] {strides = array<i32>} : memref<128x64xf32, #tpu.memory_space<vmem>>, vector<1x16xf32>,
          %swap3A_402 = vector.shape_cast %swap3A_401 : vector<1x16xf32> to vector<16xf32>
          %swap3A_403 = vector.shape_cast %mul3A_398 : vector<16xf32> to vector<1x16xf32>
          tpu.vector_store %arg8[%swap3A_399, %swap3A_400], %swap3A_403 {strides = array<i32>} : memref<128x64xf32, #tpu.memory_space<vmem>>, vector<1x16xf32>,
          %get3A_404 = arith.index_cast %scan3A_367 : i32 to index
          %get3A_405 = arith.constant 48 : index
          %get3A_406 = tpu.vector_load %arg8[%get3A_404, %get3A_405] {strides = array<i32>} : memref<128x64xf32, #tpu.memory_space<vmem>>, vector<1x16xf32>,
          %get3A_407 = vector.shape_cast %get3A_406 : vector<1x16xf32> to vector<16xf32>
          %mul3A_408 = arith.constant 8.000000e+00 : f32
          %mul3A_409 = vector.broadcast %mul3A_408 : f32 to vector<16xf32>
          %mul3A_410 = arith.mulf %get3A_407, %mul3A_409 : vector<16xf32>
          %swap3A_411 = arith.index_cast %scan3A_367 : i32 to index
          %swap3A_412 = arith.constant 48 : index
          %swap3A_413 = tpu.vector_load %arg8[%swap3A_411, %swap3A_412] {strides = array<i32>} : memref<128x64xf32, #tpu.memory_space<vmem>>, vector<1x16xf32>,
          %swap3A_414 = vector.shape_cast %swap3A_413 : vector<1x16xf32> to vector<16xf32>
          %swap3A_415 = vector.shape_cast %mul3A_410 : vector<16xf32> to vector<1x16xf32>
          tpu.vector_store %arg8[%swap3A_411, %swap3A_412], %swap3A_415 {strides = array<i32>} : memref<128x64xf32, #tpu.memory_space<vmem>>, vector<1x16xf32>,
          %scan3A_416 = arith.constant 7 : i32
          %scan3A_417 = arith.addi %scan3A_69, %scan3A_416 : i32
          %get3A_418 = arith.index_cast %scan3A_417 : i32 to index
          %get3A_419 = arith.constant 0 : index
          %get3A_420 = tpu.vector_load %arg8[%get3A_418, %get3A_419] {strides = array<i32>} : memref<128x64xf32, #tpu.memory_space<vmem>>, vector<1x16xf32>,
          %get3A_421 = vector.shape_cast %get3A_420 : vector<1x16xf32> to vector<16xf32>
          %mul3A_422 = arith.constant 8.000000e+00 : f32
          %mul3A_423 = vector.broadcast %mul3A_422 : f32 to vector<16xf32>
          %mul3A_424 = arith.mulf %get3A_421, %mul3A_423 : vector<16xf32>
          %swap3A_425 = arith.index_cast %scan3A_417 : i32 to index
          %swap3A_426 = arith.constant 0 : index
          %swap3A_427 = tpu.vector_load %arg8[%swap3A_425, %swap3A_426] {strides = array<i32>} : memref<128x64xf32, #tpu.memory_space<vmem>>, vector<1x16xf32>,
          %swap3A_428 = vector.shape_cast %swap3A_427 : vector<1x16xf32> to vector<16xf32>
          %swap3A_429 = vector.shape_cast %mul3A_424 : vector<16xf32> to vector<1x16xf32>
          tpu.vector_store %arg8[%swap3A_425, %swap3A_426], %swap3A_429 {strides = array<i32>} : memref<128x64xf32, #tpu.memory_space<vmem>>, vector<1x16xf32>,
          %get3A_430 = arith.index_cast %scan3A_417 : i32 to index
          %get3A_431 = arith.constant 16 : index
          %get3A_432 = tpu.vector_load %arg8[%get3A_430, %get3A_431] {strides = array<i32>} : memref<128x64xf32, #tpu.memory_space<vmem>>, vector<1x16xf32>,
          %get3A_433 = vector.shape_cast %get3A_432 : vector<1x16xf32> to vector<16xf32>
          %mul3A_434 = arith.constant 8.000000e+00 : f32
          %mul3A_435 = vector.broadcast %mul3A_434 : f32 to vector<16xf32>
          %mul3A_436 = arith.mulf %get3A_433, %mul3A_435 : vector<16xf32>
          %swap3A_437 = arith.index_cast %scan3A_417 : i32 to index
          %swap3A_438 = arith.constant 16 : index
          %swap3A_439 = tpu.vector_load %arg8[%swap3A_437, %swap3A_438] {strides = array<i32>} : memref<128x64xf32, #tpu.memory_space<vmem>>, vector<1x16xf32>,
          %swap3A_440 = vector.shape_cast %swap3A_439 : vector<1x16xf32> to vector<16xf32>
          %swap3A_441 = vector.shape_cast %mul3A_436 : vector<16xf32> to vector<1x16xf32>
          tpu.vector_store %arg8[%swap3A_437, %swap3A_438], %swap3A_441 {strides = array<i32>} : memref<128x64xf32, #tpu.memory_space<vmem>>, vector<1x16xf32>,
          %get3A_442 = arith.index_cast %scan3A_417 : i32 to index
          %get3A_443 = arith.constant 32 : index
          %get3A_444 = tpu.vector_load %arg8[%get3A_442, %get3A_443] {strides = array<i32>} : memref<128x64xf32, #tpu.memory_space<vmem>>, vector<1x16xf32>,
          %get3A_445 = vector.shape_cast %get3A_444 : vector<1x16xf32> to vector<16xf32>
          %mul3A_446 = arith.constant 8.000000e+00 : f32
          %mul3A_447 = vector.broadcast %mul3A_446 : f32 to vector<16xf32>
          %mul3A_448 = arith.mulf %get3A_445, %mul3A_447 : vector<16xf32>
          %swap3A_449 = arith.index_cast %scan3A_417 : i32 to index
          %swap3A_450 = arith.constant 32 : index
          %swap3A_451 = tpu.vector_load %arg8[%swap3A_449, %swap3A_450] {strides = array<i32>} : memref<128x64xf32, #tpu.memory_space<vmem>>, vector<1x16xf32>,
          %swap3A_452 = vector.shape_cast %swap3A_451 : vector<1x16xf32> to vector<16xf32>
          %swap3A_453 = vector.shape_cast %mul3A_448 : vector<16xf32> to vector<1x16xf32>
          tpu.vector_store %arg8[%swap3A_449, %swap3A_450], %swap3A_453 {strides = array<i32>} : memref<128x64xf32, #tpu.memory_space<vmem>>, vector<1x16xf32>,
          %get3A_454 = arith.index_cast %scan3A_417 : i32 to index
          %get3A_455 = arith.constant 48 : index
          %get3A_456 = tpu.vector_load %arg8[%get3A_454, %get3A_455] {strides = array<i32>} : memref<128x64xf32, #tpu.memory_space<vmem>>, vector<1x16xf32>,
          %get3A_457 = vector.shape_cast %get3A_456 : vector<1x16xf32> to vector<16xf32>
          %mul3A_458 = arith.constant 8.000000e+00 : f32
          %mul3A_459 = vector.broadcast %mul3A_458 : f32 to vector<16xf32>
          %mul3A_460 = arith.mulf %get3A_457, %mul3A_459 : vector<16xf32>
          %swap3A_461 = arith.index_cast %scan3A_417 : i32 to index
          %swap3A_462 = arith.constant 48 : index
          %swap3A_463 = tpu.vector_load %arg8[%swap3A_461, %swap3A_462] {strides = array<i32>} : memref<128x64xf32, #tpu.memory_space<vmem>>, vector<1x16xf32>,
          %swap3A_464 = vector.shape_cast %swap3A_463 : vector<1x16xf32> to vector<16xf32>
          %swap3A_465 = vector.shape_cast %mul3A_460 : vector<16xf32> to vector<1x16xf32>
          tpu.vector_store %arg8[%swap3A_461, %swap3A_462], %swap3A_465 {strides = array<i32>} : memref<128x64xf32, #tpu.memory_space<vmem>>, vector<1x16xf32>,
        }
        %scan3A_65 = arith.constant 128 : i32
        %mul3A_66 = arith.constant 128 : i32
        %mul3A_67 = arith.muli %add3A_42, %mul3A_66 : i32
        %add3A_68 = arith.addi %mul3A_2, %mul3A_67 : i32
        "tpu.region"() ({
          %run_scoped3A = tpu.sem_alloc : memref<!tpu.dma_semaphore, #tpu.memory_space<semaphore_mem>>
          %dma_start3A_69 = arith.constant 0 : i32
          %dma_start3A_70 = tpu.memref_slice %arg4[%add3A_68, %dma_start3A_69] : memref<819200x64xf32, #tpu.memory_space<hbm>> -> memref<128x64xf32, #tpu.memory_space<hbm>>
          %dma_start3A_71 = arith.constant 0 : i32
          %dma_start3A_72 = tpu.memref_slice %arg4[%add3A_68, %dma_start3A_71] : memref<819200x64xf32, #tpu.memory_space<hbm>> -> memref<128x64xf32, #tpu.memory_space<hbm>>
          tpu.enqueue_dma source(%arg8 : memref<128x64xf32, #tpu.memory_space<vmem>>) target(%dma_start3A_72 : memref<128x64xf32, #tpu.memory_space<hbm>>) target_semaphore(%run_scoped3A : memref<!tpu.dma_semaphore, #tpu.memory_space<semaphore_mem>>)
          %dma_wait3A_73 = arith.constant 0 : i32
          %dma_wait3A_74 = tpu.memref_slice %arg4[%add3A_68, %dma_wait3A_73] : memref<819200x64xf32, #tpu.memory_space<hbm>> -> memref<128x64xf32, #tpu.memory_space<hbm>>
          %dma_wait3A_75 = arith.constant 0 : i32
          %dma_wait3A_76 = tpu.memref_slice %arg4[%add3A_68, %dma_wait3A_75] : memref<819200x64xf32, #tpu.memory_space<hbm>> -> memref<128x64xf32, #tpu.memory_space<hbm>>
          tpu.wait_dma2 semaphore(%run_scoped3A : memref<!tpu.dma_semaphore, #tpu.memory_space<semaphore_mem>>) src(%arg8 : memref<128x64xf32, #tpu.memory_space<vmem>>) dst(%dma_wait3A_76 : memref<128x64xf32, #tpu.memory_space<hbm>>)
          tpu.yield
        }) : () -> ()
      } else {
      }
    }
    %scan3A_22 = arith.constant 67 : i32
    return
  }
}

</mosaic_0001>

<sc_bundles>
// kernel: _emb_lookup.3.cloned.1.call-start
scs
__scs_entry_jumppad:
0x0: {  	(pc) =	sbr.rel $0x88, $3  }
0x1: {  	(tag) =	ssettag $0x0;
	lr =	simm.s32 $0x1  }
0x2: {  	[smem:$0x3F9F] =	sst lr;
	_ =	strace $0xD0000000  }
0x3: {  	_ = 	snop  }
0x4: {  	_ = 	snop  }
0x5: {  	_ = 	snop  }
0x6: {  	_ = 	snop  }
0x7: {  	_ = 	snop  }
__scs_overlays_trampoline_lowered:
0x8: {  	[smem:$0x3FAE] =	sst s0  }
0x9: {  	[smem:$0x3FAF] =	sst s1  }
0xa: {  	[smem:$0x3FB0] =	sst s2  }
0xb: {  	[smem:$0x3FB1] =	sst s3  }
0xc: {  	[smem:$0x3FB2] =	sst s4  }
0xd: {  	[smem:$0x3FB3] =	sst s5  }
0xe: {  	[smem:$0x3FB4] =	sst s6  }
0xf: {  	[smem:$0x3FB5] =	sst s7  }
0x10: {  	[smem:$0x3FB6] =	sst s8  }
0x11: {  	[smem:$0x3FB7] =	sst s9;
	s0 =	simm.s32 @!p0 $0x0  }
0x12: {  	s1 =	sld [smem:$0x3F9D];
	s0 =	simm.s32 @p0 $0x1  }
0x13: {  	[smem:$0x3FB8] =	sst s0;
	s0 =	simm.s32 @!p1 $0x0  }
0x14: {  	s2 =	sld [smem:$0x3F9C];
	s0 =	simm.s32 @p1 $0x1  }
0x15: {  	[smem:$0x3FB9] =	sst s0;
	s0 =	simm.s32 @!p2 $0x0  }
0x16: {  	s3 =	sld [smem:$0x3FDB];
	s0 =	simm.s32 @p2 $0x1  }
0x17: {  	s4 =	simm.s32 $0x1BF5;
	[smem:$0x3FBB] =	sst s0  }
0x18: {  	s0 =	sld [smem:$0x3F9E];
	_ =	swait.ge [sflag:s4], $0x0  }
0x19: {  	s7 =	sld [smem:$0x3F9F]  }
0x1a: {  	s8 =	sadd.s32 $0xFFFFE003, lr  }
0x1b: {  	s9 =	sadd.s32 $0xFFFFFEF7, lr;
	s5 =	simm.s32 $0xFFFFFFFF;
	p2 =	slt.u32 s8, $0xFFFFF086  }
0x1c: {  	p1 =	slt.u32 s9, $0xF7A;
	s5 =	simm.s32 @!p2 $0x0  }
0x1d: {  	s5 =	simm.s32 @p1 $0x1;
	p0 =	seq.s32 s7, s2  }
0x1e: {  	s7 =	smul.u32 @!p0 $0xF7A, s2;
	p2 =	seq.s32 @!p0 s5, $0x0  }
0x1f: {  	s9 =	smul.u32 $0xF7A, s1;
	s8 =	simm.s32 @!p0 $0x1BF5;
	p2 =	por !p2, p0  }
0x20: {  	[sflag:s8] =	ssyncset.s32 @!p0 $0xFFFFF086;
	s6 =	sadd.s32 @!p0 s3, s7;
	s7 =	simm.s32 @!p0 $0x108  }
0x21: {  	s3 =	sadd.s32 s3, s9;
	s6 =	sadd.s32 @!p0 $0x88, s6;
	s7 =	simm.s32 @p2 $0x1082  }
0x22: {  	[simem:s7], [sflag:s8] =	dma.local @!p0 [hbm:s6], $0xF7A  }
0x23: {  	s9 =	sor.u32 $0xD0000000, s2;
	s6 =	simm.s32 $0x108;
	_ =	swait.ge @!p0 [sflag:s8], $0x0  }
0x24: {  	s3 =	sadd.s32 $0x88, s3;
	s6 =	simm.s32 @!p1 $0x1082;
	[sflag:s4] =	ssyncset.s32 $0xFFFFF086  }
0x25: {  	[simem:s6], [sflag:s4] =	dma.local [hbm:s3], $0xF7A  }
0x26: {  	[smem:$0x3F9F] =	sst s1;
	(tag) =	ssettag s2;
	_ =	strace s9  }
0x27: {  	s1 =	sld [smem:$0x3FAF]  }
0x28: {  	s2 =	sld [smem:$0x3FB0]  }
0x29: {  	s4 =	sld [smem:$0x3FB2]  }
0x2a: {  	p0 =	seq.s32 s5, $0x0;
	s5 =	sld [smem:$0x3FB3]  }
0x2b: {  	s6 =	sld [smem:$0x3FB4]  }
0x2c: {  	s7 =	sld [smem:$0x3FB5]  }
0x2d: {  	s3 =	simm.s32 $0x108;
	s8 =	sld [smem:$0x3FB6]  }
0x2e: {  	s3 =	simm.s32 @!p0 $0x1082;
	s9 =	sld [smem:$0x3FB7]  }
0x2f: {  	lr =	sadd.s32 s0, s3;
	s0 =	sld [smem:$0x3FAE]  }
0x30: {  	s3 =	sld [smem:$0x3FB1]  }
0x31: {  	[smem:$0x3FBA] =	sst s10  }
0x32: {  	s10 =	sld [smem:$0x3FB8];
	_ =	sdelay $0x3  }
0x33: {  	p0 =	seq.s32 s10, $0x1;
	s10 =	sld [smem:$0x3FBA];
	_ =	sdelay $0x3  }
0x34: {  	[smem:$0x3FBA] =	sst s10  }
0x35: {  	s10 =	sld [smem:$0x3FB9];
	_ =	sdelay $0x3  }
0x36: {  	p1 =	seq.s32 s10, $0x1;
	s10 =	sld [smem:$0x3FBA];
	_ =	sdelay $0x3  }
0x37: {  	[smem:$0x3FBA] =	sst s10  }
0x38: {  	s10 =	sld [smem:$0x3FBB]  }
0x39: {  	_ = 	snop;
	(pc) =	sbr.ind lr, $3  }
0x3a: {  	_ = 	snop  }
0x3b: {  	_ = 	snop  }
0x3c: {  	p2 =	seq.s32 s10, $0x1;
	s10 =	sld [smem:$0x3FBA]  }
0x3d: {  	_ =	shalt  }
0x3e: {  	_ =	shalt  }
0x3f: {  	_ =	shalt  }
0x40: {  	_ =	shalt  }
0x41: {  	_ =	shalt  }
0x42: {  	_ =	shalt  }
0x43: {  	_ =	shalt  }
0x44: {  	_ =	shalt  }
0x45: {  	_ =	shalt  }
0x46: {  	_ =	shalt  }
0x47: {  	_ =	shalt  }
0x48: {  	_ =	shalt  }
0x49: {  	_ =	shalt  }
0x4a: {  	_ =	shalt  }
0x4b: {  	_ =	shalt  }
0x4c: {  	_ =	shalt  }
0x4d: {  	_ =	shalt  }
0x4e: {  	_ =	shalt  }
0x4f: {  	_ =	shalt  }
0x50: {  	_ =	shalt  }
0x51: {  	_ =	shalt  }
0x52: {  	_ =	shalt  }
0x53: {  	_ =	shalt  }
0x54: {  	_ =	shalt  }
0x55: {  	_ =	shalt  }
0x56: {  	_ =	shalt  }
0x57: {  	_ =	shalt  }
0x58: {  	_ =	shalt  }
0x59: {  	_ =	shalt  }
0x5a: {  	_ =	shalt  }
0x5b: {  	_ =	shalt  }
0x5c: {  	_ =	shalt  }
0x5d: {  	_ =	shalt  }
0x5e: {  	_ =	shalt  }
0x5f: {  	_ =	shalt  }
0x60: {  	_ =	shalt  }
0x61: {  	_ =	shalt  }
0x62: {  	_ =	shalt  }
0x63: {  	_ =	shalt  }
0x64: {  	_ =	shalt  }
0x65: {  	_ =	shalt  }
0x66: {  	_ =	shalt  }
0x67: {  	_ =	shalt  }
0x68: {  	_ =	shalt  }
0x69: {  	_ =	shalt  }
0x6a: {  	_ =	shalt  }
0x6b: {  	_ =	shalt  }
0x6c: {  	_ =	shalt  }
0x6d: {  	_ =	shalt  }
0x6e: {  	_ =	shalt  }
0x6f: {  	_ =	shalt  }
0x70: {  	_ =	shalt  }
0x71: {  	_ =	shalt  }
0x72: {  	_ =	shalt  }
0x73: {  	_ =	shalt  }
0x74: {  	_ =	shalt  }
0x75: {  	_ =	shalt  }
0x76: {  	_ =	shalt  }
0x77: {  	_ =	shalt  }
0x78: {  	_ =	shalt  }
0x79: {  	_ =	shalt  }
0x7a: {  	_ =	shalt  }
0x7b: {  	_ =	shalt  }
0x7c: {  	_ =	shalt  }
0x7d: {  	_ =	shalt  }
0x7e: {  	_ =	shalt  }
0x7f: {  	_ =	shalt  }
0x80: {  	_ =	shalt  }
0x81: {  	_ =	shalt  }
0x82: {  	_ =	shalt  }
0x83: {  	_ =	shalt  }
0x84: {  	_ =	shalt  }
0x85: {  	_ =	shalt  }
0x86: {  	_ =	shalt  }
0x87: {  	_ =	shalt  }
.Lfunc_end0:
.L_simem_size_0:
called_computation.1_lowered:
.L_overlay_start_0:
0x88: {  	s2 =	sld [smem:$0x3FD9]  }
0x89: {  	s3 =	sld [smem:$0x3FFE];
	_ =	sdelay $0x1  }
0x8a: {  	s1 =	srdreg.scid  }
0x8b: {  	s0 =	sand.u32 $0x1, s1  }
0x8c: {  	s17 =	sshll.u32 s0, $0xA;
	s2 =	sadd.s32 s3, s2  }
0x8d: {  	s2 =	sadd.s32 s2, s17  }
0x8e: {  	[smem:$0x3FC6] =	sst s2  }
0x8f: {  	_ = 	snop  }
0x90: {  	s2 =	sld [smem:$0x3FC9]  }
0x91: {  	s18 =	sld [smem:$0x3FD0];
	(tm) =	ssettm $0x1  }
0x92: {  	s4 =	sld [smem:$0x3FFB];
	_ =	sdelay $0x3  }
0x93: {  	_ =	strace s4  }
0x94: {  	s4 =	sld [smem:$0x3FFC];
	_ =	sdelay $0x3  }
0x95: {  	_ =	strace s4  }
0x96: {  	s4 =	sld [smem:$0x3FFD];
	_ =	sdelay $0x3  }
0x97: {  	_ =	strace s4  }
0x98: {  	_ =	strace $0x8FFFFFFF  }
0x99: {  	s19 =	sld [smem:$0x3FDB];
	_ =	sdelay $0x1  }
0x9a: {  	s5 =	simm.s32 $_scs_section_size  }
0x9b: {  	s6 =	simm.s32 $_size__tile_overlayer_lowered;
	s7 =	simm.s32 $_tile_overlayer_lowered  }
0x9c: {  	s22 =	simm.s32 $0x1BFF;
	s21 =	sshll.u32 s7, $0x1;
	s4 =	sadd.s32 s5, s19  }
0x9d: {  	s8 =	simm.s32 $0x0;
	s20 =	sshll.u32 s6, $0x1;
	s6 =	sadd.s32 s21, s4  }
0x9e: {  	[timem:s8], [sflag:s22] =	dma.local [hbm:s6], s20  }
0x9f: {  	_ =	swait.ge [sflag:s22], s20  }
0xa0: {  	s5 =	ssub.s32 $0x0, s20;
	[sflag:s22] =	ssyncset.done $0x0  }
0xa1: {  	[sflag:s22] =	ssyncadd.s32 s5;
	_ =	sdelay $0x1  }
0xa2: {  	s23 =	simm.s32 $0x1B8B  }
0xa3: {  	_ =	swait.ge [sflag:s23], $0x1  }
0xa4: {  	[sflag:s23] =	ssyncset.done $0x0  }
0xa5: {  	s25 =	simm.s32 $0x1B8E;
	s24 =	sld [smem:$0x3FFE];
	[sflag:s23] =	ssyncadd.s32 $0xFFFFFFFF  }
0xa6: {  	s26 =	simm.s32 $execute0_lowered;
	[smem:$0x3FD2] =	sst s25  }
0xa7: {  	s6 =	sshll.u32 s26, $0x1;
	_ =	strace $0x80000046;
	[dreg:$0x1] =	wrdreg $0xFFFFFFFF  }
0xa8: {  	s28 =	simm.s32 $_size_execute0_lowered;
	s4 =	sadd.s32 s4, s6;
	[dreg:$0x0] =	wrdreg $0x0  }
0xa9: {  	s6 =	sshll.u32 s28, $0x1;
	[dreg:$0x2] =	wrdreg s4  }
0xaa: {  	[dreg:$0x3] =	wrdreg s6  }
0xab: {  	[dreg:$0x4] =	wrdreg $0xC0  }
0xac: {  	_ =	task [dreg:s8], $0x5FFFF  }
0xad: {  	[dreg:$0x1] =	wrdreg $0xFFFFFFFF  }
0xae: {  	[dreg:$0x0] =	wrdreg $0x60  }
0xaf: {  	[dreg:$0x2] =	wrdreg s24  }
0xb0: {  	[dreg:$0x3] =	wrdreg s2  }
0xb1: {  	[dreg:$0x4] =	wrdreg s18  }
0xb2: {  	[dreg:$0x5] =	wrdreg $0x9  }
0xb3: {  	_ =	task.clear_ibuf [dreg:s8], $0x6FFFF;
	_ =	strace $0x90000046  }
0xb4: {  	s29 =	simm.s32 $0x9;
	_ =	strace $0x80000048  }
0xb5: {  	_ =	swait.ge [sflag:s29], $0x1  }
0xb6: {  	[sflag:s29] =	ssyncadd.s32 $0xFFFFFFFF  }
0xb7: {  	_ =	strace $0x90000048  }
0xb8: {  	_ =	sfence  }
0xb9: {  	s30 =	sld [smem:$0x0];
	_ =	sdelay $0x2  }
0xba: {  	s31 =	sshll.u32 s1, $0xD;
	s1 =	sshrl.u32 s1, $0x2  }
0xbb: {  	s3 =	sand.u32 $0x4000, s31;
	s1 =	sadd.s32 s1, s30  }
0xbc: {  	s0 =	sor.u32 s3, s0;
	s1 =	sshll.u32 s1, $0x11  }
0xbd: {  	s0 =	sor.u32 s1, s0  }
0xbe: {  	s0 =	sadd.s32 $0x8F2B, s0  }
0xbf: {  	[sflag:s0] =	ssyncadd.remote.s32 $0x1  }
0xc0: {  	_ =	sfence.sel $0xFFFF  }
0xc1: {  	[dreg:$0x0] =	wrdreg $0xFFFFFFFF;
	(pc) =	sbr.abs _section_cstart, $3  }
0xc2: {  	[dreg:$0x1] =	wrdreg $0xFFFFFFFF  }
0xc3: {  	_ =	task.clear_ibuf [dreg:s8], $0x2FFFF;
	_ =	strace $0x9FFFFFFF  }
0xc4: {  	(tm) =	ssettm $0x7FFFFFFF  }
0xc5: {  	_ =	shalt  }
tec
execute0_lowered:
.L_overlay_start_1:
0x0: {  	(tag) =	ssettag $0x1  }
0x1: {  	s4 =	rddreg [dreg:$0x0]  }
0x2: {  	s6 =	rddreg [dreg:$0x1]  }
0x3: {  	s1 =	srdreg.scid;
	s0 =	stileid.u32  }
0x4: {  	s2 =	rddreg [dreg:$0x2];
	s11 =	simm.s32 $0x80;
	s12 =	simm.s32 $0x6400  }
0x5: {  	s13 =	simm.s32 $0x8400;
	s14 =	simm.s32 $0x1;
	s15 =	simm.s32 $0x5  }
0x6: {  	s16 =	simm.s32 $0x2;
	s5 =	sand.u32 $0x1, s1;
	s3 =	sshll.u32 s0, $0x1  }
0x7: {  	s17 =	simm.s32 $0x3;
	s18 =	simm.s32 $0xA400;
	s7 =	sor.u32 s5, s3  }
0x8: {  	s19 =	simm.s32 $0x0;
	s1 =	rddreg [dreg:$0x3];
	s8 =	smul.u32 $0xC80, s7  }
.Ltmp0:
0x9: {  	s3 =	simm.s32 $0x0;
	s5 =	ssub.s32 $0x2, s5;
	(pc) =	sbr.rel .LBB2_1-.Ltmp0, $4  }
0xa: {  	[smem:$0x7FF] =	sst s3;
	s9 =	sshrl.u32 s5, $0x1;
	s10 =	smul.u32 $0x190000, s7  }
0xb: {  	s4 =	sadd.s32 $0xF42C00, s4;
	_ =	strace $0x80000047;
	s9 =	ssub.s32 s5, s9  }
0xc: {  	s5 =	smul.u32 $0x6400, s7;
	s6 =	sadd.s32 s6, s8;
	s7 =	sor.u32 $0x2000, s10  }
0xd: {  	s8 =	sor.u32 $0x4000, s10;
	s9 =	smax.u32 s9, $0x1;
	s10 =	simm.s32 $0x4  }
.LBB2_10:
0xe: {  	s19 =	sadd.s32 $0x1, s19  }
0xf: {  	p0 =	sne.s32 s19, s9  }
.Ltmp1:
0x10: {  	_ = 	snop;
	(pc) =	sbr.rel @!p0 .LBB2_11-.Ltmp1, $1  }
0x11: {  	_ =	sdelay $0x3  }
.LBB2_1:
0x12: {  	[tilespmem:s3], [sflag:$0x4] =	stream.linear.gather [hbm4b:s6+s3], $0x6400, $0x38;
	[tilespmem:$0xC400] =	vst v63  }
0x13: {  	_ =	swait.ge [sflag:s10], $0x6400  }
0x14: {  	[sflag:s10] =	ssyncset.done $0x0  }
0x15: {  	[sflag:s10] =	ssyncadd.s32 $0xFFFF9C00  }
0x16: {  	[tilespmem:s12], [sflag:$0x1] =	stream.indirect.gather [hbm4b:s4+s11], $0x40, s3, s11, $0xb8;
	[tilespmem:$0xC400] =	vst v63  }
0x17: {  	s20 =	simm.s32 $0x0  }
0x18: {  	[tilespmem:s13], [sflag:$0x2] =	stream.indirect.gather [hbm4b:s4+s11], $0x40, s11, s11, $0xb8;
	[tilespmem:$0xC400] =	vst v63  }
.LBB2_2:
0x19: {  	p0 =	seq.s32 s20, $0x42  }
0x1a: {  	s21 =	smul.u32 @!p0 $0x600, s20;
	_ =	sdelay $0x1  }
0x1b: {  	s21 =	sshra.s32 @!p0 s21, $0x2  }
0x1c: {  	s23 =	simm.s32 @!p0 $0x80;
	s24 =	simm.s32 @!p0 $0xA400;
	s22 =	sadd.s32 @!p0 $0x100, s21  }
0x1d: {  	[tilespmem:s24], [sflag:$0x3] =	stream.indirect.gather @!p0 [hbm4b:s4+s23], $0x40, s22, s23, $0xb8;
	[tilespmem:$0xC400] =	vst v63  }
0x1e: {  	_ =	swait.ge [sflag:s14], $0x2000  }
0x1f: {  	[sflag:s14] =	ssyncset.done $0x0  }
0x20: {  	s22 =	simm.s32 $0x6500;
	[sflag:s14] =	ssyncadd.s32 $0xFFFFE000  }
0x21: {  	v0 =	vld [tilespmem:s22+$0xFFFFFF00]  }
0x22: {  	v1 =	vld [tilespmem:s22+$0xFFFFFF10]  }
0x23: {  	v2 =	vld [tilespmem:s22+$0xFFFFFF20]  }
0x24: {  	v3 =	vld [tilespmem:s22+$0xFFFFFF30]  }
0x25: {  	v4 =	vld [tilespmem:s22+$0xFFFFFF40]  }
0x26: {  	v5 =	vld [tilespmem:s22+$0xFFFFFF50];
	v0 =	vmul.f32 $8.000000000e+00, v0  }
0x27: {  	v6 =	vld [tilespmem:s22+$0xFFFFFF60];
	v1 =	vmul.f32 $8.000000000e+00, v1  }
0x28: {  	[tilespmem:s22+$0xFFFFFF00] =	vst v0;
	v0 =	vmul.f32 $8.000000000e+00, v2;
	v2 =	vld [tilespmem:s22+$0xFFFFFF70]  }
0x29: {  	[tilespmem:s22+$0xFFFFFF10] =	vst v1;
	v1 =	vmul.f32 $8.000000000e+00, v3;
	v3 =	vld [tilespmem:s22+$0xFFFFFF80]  }
0x2a: {  	[tilespmem:s22+$0xFFFFFF20] =	vst v0;
	v0 =	vmul.f32 $8.000000000e+00, v4;
	v4 =	vld [tilespmem:s22+$0xFFFFFF90]  }
0x2b: {  	[tilespmem:s22+$0xFFFFFF30] =	vst v1;
	v1 =	vmul.f32 $8.000000000e+00, v5;
	v5 =	vld [tilespmem:s22+$0xFFFFFFA0]  }
0x2c: {  	[tilespmem:s22+$0xFFFFFF40] =	vst v0;
	v0 =	vmul.f32 $8.000000000e+00, v6;
	v6 =	vld [tilespmem:s22+$0xFFFFFFB0]  }
0x2d: {  	[tilespmem:s22+$0xFFFFFF50] =	vst v1;
	v1 =	vmul.f32 $8.000000000e+00, v2;
	v2 =	vld [tilespmem:s22+$0xFFFFFFC0]  }
0x2e: {  	[tilespmem:s22+$0xFFFFFF60] =	vst v0;
	v0 =	vmul.f32 $8.000000000e+00, v3;
	v3 =	vld [tilespmem:s22+$0xFFFFFFD0]  }
0x2f: {  	[tilespmem:s22+$0xFFFFFF70] =	vst v1;
	v1 =	vmul.f32 $8.000000000e+00, v4;
	v4 =	vld [tilespmem:s22+$0xFFFFFFE0]  }
0x30: {  	[tilespmem:s22+$0xFFFFFF80] =	vst v0;
	v0 =	vmul.f32 $8.000000000e+00, v5;
	v5 =	vld [tilespmem:s22+$0x0]  }
0x31: {  	[tilespmem:s22+$0xFFFFFF90] =	vst v1;
	v1 =	vmul.f32 $8.000000000e+00, v6;
	v6 =	vld [tilespmem:s22+$0x10]  }
0x32: {  	[tilespmem:s22+$0xFFFFFFA0] =	vst v0;
	v0 =	vmul.f32 $8.000000000e+00, v2;
	v2 =	vld [tilespmem:s22+$0x20]  }
0x33: {  	[tilespmem:s22+$0xFFFFFFB0] =	vst v1;
	v1 =	vmul.f32 $8.000000000e+00, v3;
	v3 =	vld [tilespmem:s22+$0x30]  }
0x34: {  	[tilespmem:s22+$0xFFFFFFC0] =	vst v0;
	v0 =	vmul.f32 $8.000000000e+00, v4;
	v4 =	vld [tilespmem:s22+$0x40]  }
0x35: {  	[tilespmem:s22+$0xFFFFFFD0] =	vst v1;
	v1 =	vmul.f32 $8.000000000e+00, v5;
	v5 =	vld [tilespmem:s22+$0x50]  }
0x36: {  	[tilespmem:s22+$0xFFFFFFE0] =	vst v0;
	v0 =	vmul.f32 $8.000000000e+00, v6;
	v6 =	vld [tilespmem:s22+$0x60]  }
0x37: {  	[tilespmem:s22+$0x0] =	vst v1;
	v1 =	vmul.f32 $8.000000000e+00, v2;
	v2 =	vld [tilespmem:s22+$0x70]  }
0x38: {  	[tilespmem:s22+$0x10] =	vst v0;
	v0 =	vmul.f32 $8.000000000e+00, v3;
	v3 =	vld [tilespmem:s22+$0x80]  }
0x39: {  	[tilespmem:s22+$0x20] =	vst v1;
	v1 =	vmul.f32 $8.000000000e+00, v4;
	v4 =	vld [tilespmem:s22+$0x90]  }
0x3a: {  	[tilespmem:s22+$0x30] =	vst v0;
	v0 =	vmul.f32 $8.000000000e+00, v5;
	v5 =	vld [tilespmem:s22+$0xA0]  }
0x3b: {  	[tilespmem:s22+$0x40] =	vst v1;
	v1 =	vmul.f32 $8.000000000e+00, v6;
	v6 =	vld [tilespmem:s22+$0xB0]  }
0x3c: {  	[tilespmem:s22+$0x50] =	vst v0;
	v2 =	vmul.f32 $8.000000000e+00, v2;
	v0 =	vld [tilespmem:s22+$0xC0]  }
0x3d: {  	[tilespmem:s22+$0x60] =	vst v1;
	v7 =	vmul.f32 $8.000000000e+00, v3;
	v1 =	vld [tilespmem:s22+$0xD0]  }
0x3e: {  	v3 =	vld [tilespmem:s22+$0xE0];
	[tilespmem:s22+$0x70] =	vst v2;
	v8 =	vmul.f32 $8.000000000e+00, v4  }
0x3f: {  	v2 =	vld [tilespmem:s22+$0xF0];
	[tilespmem:s22+$0x80] =	vst v7;
	v5 =	vmul.f32 $8.000000000e+00, v5  }
0x40: {  	s23 =	simm.s32 $0x0;
	s24 =	simm.s32 $0x6700;
	v4 =	vld [tilespmem:s22+$0xFFFFFFF0];
	[tilespmem:s22+$0x90] =	vst v8;
	v6 =	vmul.f32 $8.000000000e+00, v6  }
.LBB2_3:
0x41: {  	v7 =	vld [tilespmem:s24+$0xFFFFFF00];
	[tilespmem:s22+$0xA0] =	vst v5;
	v0 =	vmul.f32 $8.000000000e+00, v0  }
0x42: {  	v5 =	vld [tilespmem:s24+$0xFFFFFF10];
	[tilespmem:s22+$0xB0] =	vst v6;
	v1 =	vmul.f32 $8.000000000e+00, v1  }
0x43: {  	v6 =	vld [tilespmem:s24+$0xFFFFFF20];
	[tilespmem:s22+$0xC0] =	vst v0;
	v0 =	vmul.f32 $8.000000000e+00, v3  }
0x44: {  	v3 =	vld [tilespmem:s24+$0xFFFFFF30];
	[tilespmem:s22+$0xD0] =	vst v1;
	v1 =	vmul.f32 $8.000000000e+00, v2  }
0x45: {  	v2 =	vld [tilespmem:s24+$0xFFFFFF40];
	v4 =	vmul.f32 $8.000000000e+00, v4;
	[tilespmem:s22+$0xE0] =	vst v0  }
0x46: {  	v0 =	vmul.f32 $8.000000000e+00, v7;
	v7 =	vld [tilespmem:s24+$0xFFFFFF50];
	[tilespmem:s22+$0xF0] =	vst v1  }
0x47: {  	v1 =	vmul.f32 $8.000000000e+00, v5;
	v5 =	vld [tilespmem:s24+$0xFFFFFF60];
	[tilespmem:s22+$0xFFFFFFF0] =	vst v4;
	s22 =	smov.u32 s24  }
0x48: {  	[tilespmem:s24+$0xFFFFFF00] =	vst v0;
	v0 =	vmul.f32 $8.000000000e+00, v6;
	v4 =	vld [tilespmem:s24+$0xFFFFFF70]  }
0x49: {  	[tilespmem:s24+$0xFFFFFF10] =	vst v1;
	v1 =	vmul.f32 $8.000000000e+00, v3;
	v3 =	vld [tilespmem:s24+$0xFFFFFF80]  }
0x4a: {  	[tilespmem:s24+$0xFFFFFF20] =	vst v0;
	v0 =	vmul.f32 $8.000000000e+00, v2;
	v2 =	vld [tilespmem:s24+$0xFFFFFF90]  }
0x4b: {  	[tilespmem:s24+$0xFFFFFF30] =	vst v1;
	v1 =	vmul.f32 $8.000000000e+00, v7;
	v6 =	vld [tilespmem:s24+$0xFFFFFFA0]  }
0x4c: {  	[tilespmem:s24+$0xFFFFFF40] =	vst v0;
	v0 =	vmul.f32 $8.000000000e+00, v5;
	v5 =	vld [tilespmem:s24+$0xFFFFFFB0]  }
0x4d: {  	[tilespmem:s24+$0xFFFFFF50] =	vst v1;
	v1 =	vmul.f32 $8.000000000e+00, v4;
	v4 =	vld [tilespmem:s24+$0xFFFFFFC0]  }
0x4e: {  	[tilespmem:s24+$0xFFFFFF60] =	vst v0;
	v0 =	vmul.f32 $8.000000000e+00, v3;
	v3 =	vld [tilespmem:s24+$0xFFFFFFD0]  }
0x4f: {  	[tilespmem:s24+$0xFFFFFF70] =	vst v1;
	v1 =	vmul.f32 $8.000000000e+00, v2;
	v2 =	vld [tilespmem:s24+$0xFFFFFFE0]  }
0x50: {  	[tilespmem:s24+$0xFFFFFF80] =	vst v0;
	v0 =	vmul.f32 $8.000000000e+00, v6;
	v6 =	vld [tilespmem:s24+$0x0]  }
0x51: {  	[tilespmem:s24+$0xFFFFFF90] =	vst v1;
	v1 =	vmul.f32 $8.000000000e+00, v5;
	v5 =	vld [tilespmem:s24+$0x10]  }
0x52: {  	[tilespmem:s24+$0xFFFFFFA0] =	vst v0;
	v0 =	vmul.f32 $8.000000000e+00, v4;
	v4 =	vld [tilespmem:s24+$0x20]  }
0x53: {  	[tilespmem:s24+$0xFFFFFFB0] =	vst v1;
	v1 =	vmul.f32 $8.000000000e+00, v3;
	v3 =	vld [tilespmem:s24+$0x30]  }
0x54: {  	[tilespmem:s24+$0xFFFFFFC0] =	vst v0;
	v0 =	vmul.f32 $8.000000000e+00, v2;
	v2 =	vld [tilespmem:s24+$0x40]  }
0x55: {  	[tilespmem:s24+$0xFFFFFFD0] =	vst v1;
	v1 =	vmul.f32 $8.000000000e+00, v6;
	v6 =	vld [tilespmem:s24+$0x50]  }
0x56: {  	[tilespmem:s24+$0xFFFFFFE0] =	vst v0;
	v0 =	vmul.f32 $8.000000000e+00, v5;
	v5 =	vld [tilespmem:s24+$0x60]  }
0x57: {  	[tilespmem:s24+$0x0] =	vst v1;
	v1 =	vmul.f32 $8.000000000e+00, v4;
	v4 =	vld [tilespmem:s24+$0x70]  }
0x58: {  	[tilespmem:s24+$0x10] =	vst v0;
	v0 =	vmul.f32 $8.000000000e+00, v3;
	v3 =	vld [tilespmem:s24+$0x80]  }
0x59: {  	[tilespmem:s24+$0x20] =	vst v1;
	v1 =	vmul.f32 $8.000000000e+00, v2;
	v2 =	vld [tilespmem:s24+$0x90]  }
0x5a: {  	s23 =	sadd.s32 $0x8, s23;
	[tilespmem:s24+$0x30] =	vst v0;
	v0 =	vmul.f32 $8.000000000e+00, v6;
	v6 =	vld [tilespmem:s24+$0xA0]  }
0x5b: {  	p1 =	slt.u32 s23, $0x78;
	[tilespmem:s24+$0x40] =	vst v1;
	v1 =	vmul.f32 $8.000000000e+00, v5;
	v7 =	vld [tilespmem:s24+$0xB0]  }
.Ltmp2:
0x5c: {  	[tilespmem:s24+$0x50] =	vst v0;
	v4 =	vmul.f32 $8.000000000e+00, v4;
	v0 =	vld [tilespmem:s24+$0xC0];
	(pc) =	sbr.rel @p1 .LBB2_3-.Ltmp2, $4  }
0x5d: {  	[tilespmem:s24+$0x60] =	vst v1;
	v5 =	vmul.f32 $8.000000000e+00, v3;
	v1 =	vld [tilespmem:s24+$0xD0]  }
0x5e: {  	[tilespmem:s24+$0x70] =	vst v4;
	v8 =	vmul.f32 $8.000000000e+00, v2;
	v3 =	vld [tilespmem:s24+$0xE0]  }
0x5f: {  	[tilespmem:s24+$0x80] =	vst v5;
	v5 =	vmul.f32 $8.000000000e+00, v6;
	v2 =	vld [tilespmem:s24+$0xF0]  }
0x60: {  	s24 =	sadd.s32 $0x200, s24;
	v4 =	vld [tilespmem:s22+$0xFFFFFFF0];
	[tilespmem:s22+$0x90] =	vst v8;
	v6 =	vmul.f32 $8.000000000e+00, v7  }
0x61: {  	[tilespmem:s22+$0xA0] =	vst v5;
	v0 =	vmul.f32 $8.000000000e+00, v0  }
0x62: {  	[tilespmem:s22+$0xB0] =	vst v6;
	v1 =	vmul.f32 $8.000000000e+00, v1  }
0x63: {  	s23 =	smul.u32 $0x180, s20;
	[tilespmem:s22+$0xC0] =	vst v0;
	v0 =	vmul.f32 $8.000000000e+00, v3  }
0x64: {  	[tilespmem:s22+$0xD0] =	vst v1;
	v1 =	vmul.f32 $8.000000000e+00, v2  }
0x65: {  	s23 =	sadd.s32 s5, s23;
	v2 =	vmul.f32 $8.000000000e+00, v4;
	[tilespmem:s22+$0xE0] =	vst v0  }
0x66: {  	s23 =	sshll.u32 s23, $0x3;
	[tilespmem:s22+$0xF0] =	vst v1  }
0x67: {  	s31 =	sadd.s32 s2, s23;
	[tilespmem:s22+$0xFFFFFFF0] =	vst v2  }
0x68: {  	[hbm4b:s31+s3] =	stream.linear.scatter [tilespmem:s12], [sflag:$0x5], $0x2000, $0x38;
	[tilespmem:$0xC400] =	vst v63  }
0x69: {  	_ =	swait.ge [sflag:s15], $0x2000  }
0x6a: {  	s21 =	sadd.s32 @!p0 $0x180, s21;
	[sflag:s15] =	ssyncset.done $0x0  }
0x6b: {  	s23 =	simm.s32 @!p0 $0x6400;
	s22 =	simm.s32 @!p0 $0x80;
	[sflag:s15] =	ssyncadd.s32 $0xFFFFE000  }
0x6c: {  	[tilespmem:s23], [sflag:$0x1] =	stream.indirect.gather @!p0 [hbm4b:s4+s22], $0x40, s21, s22, $0xb8;
	[tilespmem:$0xC400] =	vst v63  }
0x6d: {  	_ =	swait.ge [sflag:s16], $0x2000  }
0x6e: {  	[sflag:s16] =	ssyncset.done $0x0  }
0x6f: {  	s22 =	simm.s32 $0x8500;
	[sflag:s16] =	ssyncadd.s32 $0xFFFFE000  }
0x70: {  	v0 =	vld [tilespmem:s22+$0xFFFFFF00]  }
0x71: {  	v1 =	vld [tilespmem:s22+$0xFFFFFF10]  }
0x72: {  	v2 =	vld [tilespmem:s22+$0xFFFFFF20]  }
0x73: {  	v3 =	vld [tilespmem:s22+$0xFFFFFF30]  }
0x74: {  	v4 =	vld [tilespmem:s22+$0xFFFFFF40]  }
0x75: {  	v5 =	vld [tilespmem:s22+$0xFFFFFF50];
	v0 =	vmul.f32 $8.000000000e+00, v0  }
0x76: {  	v6 =	vld [tilespmem:s22+$0xFFFFFF60];
	v1 =	vmul.f32 $8.000000000e+00, v1  }
0x77: {  	[tilespmem:s22+$0xFFFFFF00] =	vst v0;
	v0 =	vmul.f32 $8.000000000e+00, v2;
	v2 =	vld [tilespmem:s22+$0xFFFFFF70]  }
0x78: {  	[tilespmem:s22+$0xFFFFFF10] =	vst v1;
	v1 =	vmul.f32 $8.000000000e+00, v3;
	v3 =	vld [tilespmem:s22+$0xFFFFFF80]  }
0x79: {  	[tilespmem:s22+$0xFFFFFF20] =	vst v0;
	v0 =	vmul.f32 $8.000000000e+00, v4;
	v4 =	vld [tilespmem:s22+$0xFFFFFF90]  }
0x7a: {  	[tilespmem:s22+$0xFFFFFF30] =	vst v1;
	v1 =	vmul.f32 $8.000000000e+00, v5;
	v5 =	vld [tilespmem:s22+$0xFFFFFFA0]  }
0x7b: {  	[tilespmem:s22+$0xFFFFFF40] =	vst v0;
	v0 =	vmul.f32 $8.000000000e+00, v6;
	v6 =	vld [tilespmem:s22+$0xFFFFFFB0]  }
0x7c: {  	[tilespmem:s22+$0xFFFFFF50] =	vst v1;
	v1 =	vmul.f32 $8.000000000e+00, v2;
	v2 =	vld [tilespmem:s22+$0xFFFFFFC0]  }
0x7d: {  	[tilespmem:s22+$0xFFFFFF60] =	vst v0;
	v0 =	vmul.f32 $8.000000000e+00, v3;
	v3 =	vld [tilespmem:s22+$0xFFFFFFD0]  }
0x7e: {  	[tilespmem:s22+$0xFFFFFF70] =	vst v1;
	v1 =	vmul.f32 $8.000000000e+00, v4;
	v4 =	vld [tilespmem:s22+$0xFFFFFFE0]  }
0x7f: {  	[tilespmem:s22+$0xFFFFFF80] =	vst v0;
	v0 =	vmul.f32 $8.000000000e+00, v5;
	v5 =	vld [tilespmem:s22+$0x0]  }
0x80: {  	[tilespmem:s22+$0xFFFFFF90] =	vst v1;
	v1 =	vmul.f32 $8.000000000e+00, v6;
	v6 =	vld [tilespmem:s22+$0x10]  }
0x81: {  	[tilespmem:s22+$0xFFFFFFA0] =	vst v0;
	v0 =	vmul.f32 $8.000000000e+00, v2;
	v2 =	vld [tilespmem:s22+$0x20]  }
0x82: {  	[tilespmem:s22+$0xFFFFFFB0] =	vst v1;
	v1 =	vmul.f32 $8.000000000e+00, v3;
	v3 =	vld [tilespmem:s22+$0x30]  }
0x83: {  	[tilespmem:s22+$0xFFFFFFC0] =	vst v0;
	v0 =	vmul.f32 $8.000000000e+00, v4;
	v4 =	vld [tilespmem:s22+$0x40]  }
0x84: {  	[tilespmem:s22+$0xFFFFFFD0] =	vst v1;
	v1 =	vmul.f32 $8.000000000e+00, v5;
	v5 =	vld [tilespmem:s22+$0x50]  }
0x85: {  	[tilespmem:s22+$0xFFFFFFE0] =	vst v0;
	v0 =	vmul.f32 $8.000000000e+00, v6;
	v6 =	vld [tilespmem:s22+$0x60]  }
0x86: {  	[tilespmem:s22+$0x0] =	vst v1;
	v1 =	vmul.f32 $8.000000000e+00, v2;
	v2 =	vld [tilespmem:s22+$0x70]  }
0x87: {  	[tilespmem:s22+$0x10] =	vst v0;
	v0 =	vmul.f32 $8.000000000e+00, v3;
	v3 =	vld [tilespmem:s22+$0x80]  }
0x88: {  	[tilespmem:s22+$0x20] =	vst v1;
	v1 =	vmul.f32 $8.000000000e+00, v4;
	v4 =	vld [tilespmem:s22+$0x90]  }
0x89: {  	[tilespmem:s22+$0x30] =	vst v0;
	v0 =	vmul.f32 $8.000000000e+00, v5;
	v5 =	vld [tilespmem:s22+$0xA0]  }
0x8a: {  	[tilespmem:s22+$0x40] =	vst v1;
	v1 =	vmul.f32 $8.000000000e+00, v6;
	v6 =	vld [tilespmem:s22+$0xB0]  }
0x8b: {  	[tilespmem:s22+$0x50] =	vst v0;
	v2 =	vmul.f32 $8.000000000e+00, v2;
	v0 =	vld [tilespmem:s22+$0xC0]  }
0x8c: {  	[tilespmem:s22+$0x60] =	vst v1;
	v7 =	vmul.f32 $8.000000000e+00, v3;
	v1 =	vld [tilespmem:s22+$0xD0]  }
0x8d: {  	v3 =	vld [tilespmem:s22+$0xE0];
	[tilespmem:s22+$0x70] =	vst v2;
	v8 =	vmul.f32 $8.000000000e+00, v4  }
0x8e: {  	v2 =	vld [tilespmem:s22+$0xF0];
	[tilespmem:s22+$0x80] =	vst v7;
	v5 =	vmul.f32 $8.000000000e+00, v5  }
0x8f: {  	s21 =	simm.s32 $0x0;
	s23 =	simm.s32 $0x8700;
	v4 =	vld [tilespmem:s22+$0xFFFFFFF0];
	[tilespmem:s22+$0x90] =	vst v8;
	v6 =	vmul.f32 $8.000000000e+00, v6  }
.LBB2_5:
0x90: {  	v7 =	vld [tilespmem:s23+$0xFFFFFF00];
	[tilespmem:s22+$0xA0] =	vst v5;
	v0 =	vmul.f32 $8.000000000e+00, v0  }
0x91: {  	v5 =	vld [tilespmem:s23+$0xFFFFFF10];
	[tilespmem:s22+$0xB0] =	vst v6;
	v1 =	vmul.f32 $8.000000000e+00, v1  }
0x92: {  	v6 =	vld [tilespmem:s23+$0xFFFFFF20];
	[tilespmem:s22+$0xC0] =	vst v0;
	v0 =	vmul.f32 $8.000000000e+00, v3  }
0x93: {  	v3 =	vld [tilespmem:s23+$0xFFFFFF30];
	[tilespmem:s22+$0xD0] =	vst v1;
	v1 =	vmul.f32 $8.000000000e+00, v2  }
0x94: {  	v2 =	vld [tilespmem:s23+$0xFFFFFF40];
	v4 =	vmul.f32 $8.000000000e+00, v4;
	[tilespmem:s22+$0xE0] =	vst v0  }
0x95: {  	v0 =	vmul.f32 $8.000000000e+00, v7;
	v7 =	vld [tilespmem:s23+$0xFFFFFF50];
	[tilespmem:s22+$0xF0] =	vst v1  }
0x96: {  	v1 =	vmul.f32 $8.000000000e+00, v5;
	v5 =	vld [tilespmem:s23+$0xFFFFFF60];
	[tilespmem:s22+$0xFFFFFFF0] =	vst v4;
	s22 =	smov.u32 s23  }
0x97: {  	[tilespmem:s23+$0xFFFFFF00] =	vst v0;
	v0 =	vmul.f32 $8.000000000e+00, v6;
	v4 =	vld [tilespmem:s23+$0xFFFFFF70]  }
0x98: {  	[tilespmem:s23+$0xFFFFFF10] =	vst v1;
	v1 =	vmul.f32 $8.000000000e+00, v3;
	v3 =	vld [tilespmem:s23+$0xFFFFFF80]  }
0x99: {  	[tilespmem:s23+$0xFFFFFF20] =	vst v0;
	v0 =	vmul.f32 $8.000000000e+00, v2;
	v2 =	vld [tilespmem:s23+$0xFFFFFF90]  }
0x9a: {  	[tilespmem:s23+$0xFFFFFF30] =	vst v1;
	v1 =	vmul.f32 $8.000000000e+00, v7;
	v6 =	vld [tilespmem:s23+$0xFFFFFFA0]  }
0x9b: {  	[tilespmem:s23+$0xFFFFFF40] =	vst v0;
	v0 =	vmul.f32 $8.000000000e+00, v5;
	v5 =	vld [tilespmem:s23+$0xFFFFFFB0]  }
0x9c: {  	[tilespmem:s23+$0xFFFFFF50] =	vst v1;
	v1 =	vmul.f32 $8.000000000e+00, v4;
	v4 =	vld [tilespmem:s23+$0xFFFFFFC0]  }
0x9d: {  	[tilespmem:s23+$0xFFFFFF60] =	vst v0;
	v0 =	vmul.f32 $8.000000000e+00, v3;
	v3 =	vld [tilespmem:s23+$0xFFFFFFD0]  }
0x9e: {  	[tilespmem:s23+$0xFFFFFF70] =	vst v1;
	v1 =	vmul.f32 $8.000000000e+00, v2;
	v2 =	vld [tilespmem:s23+$0xFFFFFFE0]  }
0x9f: {  	[tilespmem:s23+$0xFFFFFF80] =	vst v0;
	v0 =	vmul.f32 $8.000000000e+00, v6;
	v6 =	vld [tilespmem:s23+$0x0]  }
0xa0: {  	[tilespmem:s23+$0xFFFFFF90] =	vst v1;
	v1 =	vmul.f32 $8.000000000e+00, v5;
	v5 =	vld [tilespmem:s23+$0x10]  }
0xa1: {  	[tilespmem:s23+$0xFFFFFFA0] =	vst v0;
	v0 =	vmul.f32 $8.000000000e+00, v4;
	v4 =	vld [tilespmem:s23+$0x20]  }
0xa2: {  	[tilespmem:s23+$0xFFFFFFB0] =	vst v1;
	v1 =	vmul.f32 $8.000000000e+00, v3;
	v3 =	vld [tilespmem:s23+$0x30]  }
0xa3: {  	[tilespmem:s23+$0xFFFFFFC0] =	vst v0;
	v0 =	vmul.f32 $8.000000000e+00, v2;
	v2 =	vld [tilespmem:s23+$0x40]  }
0xa4: {  	[tilespmem:s23+$0xFFFFFFD0] =	vst v1;
	v1 =	vmul.f32 $8.000000000e+00, v6;
	v6 =	vld [tilespmem:s23+$0x50]  }
0xa5: {  	[tilespmem:s23+$0xFFFFFFE0] =	vst v0;
	v0 =	vmul.f32 $8.000000000e+00, v5;
	v5 =	vld [tilespmem:s23+$0x60]  }
0xa6: {  	[tilespmem:s23+$0x0] =	vst v1;
	v1 =	vmul.f32 $8.000000000e+00, v4;
	v4 =	vld [tilespmem:s23+$0x70]  }
0xa7: {  	[tilespmem:s23+$0x10] =	vst v0;
	v0 =	vmul.f32 $8.000000000e+00, v3;
	v3 =	vld [tilespmem:s23+$0x80]  }
0xa8: {  	[tilespmem:s23+$0x20] =	vst v1;
	v1 =	vmul.f32 $8.000000000e+00, v2;
	v2 =	vld [tilespmem:s23+$0x90]  }
0xa9: {  	s21 =	sadd.s32 $0x8, s21;
	[tilespmem:s23+$0x30] =	vst v0;
	v0 =	vmul.f32 $8.000000000e+00, v6;
	v6 =	vld [tilespmem:s23+$0xA0]  }
0xaa: {  	p1 =	slt.u32 s21, $0x78;
	[tilespmem:s23+$0x40] =	vst v1;
	v1 =	vmul.f32 $8.000000000e+00, v5;
	v7 =	vld [tilespmem:s23+$0xB0]  }
.Ltmp3:
0xab: {  	[tilespmem:s23+$0x50] =	vst v0;
	v4 =	vmul.f32 $8.000000000e+00, v4;
	v0 =	vld [tilespmem:s23+$0xC0];
	(pc) =	sbr.rel @p1 .LBB2_5-.Ltmp3, $4  }
0xac: {  	[tilespmem:s23+$0x60] =	vst v1;
	v5 =	vmul.f32 $8.000000000e+00, v3;
	v1 =	vld [tilespmem:s23+$0xD0]  }
0xad: {  	[tilespmem:s23+$0x70] =	vst v4;
	v8 =	vmul.f32 $8.000000000e+00, v2;
	v3 =	vld [tilespmem:s23+$0xE0]  }
0xae: {  	[tilespmem:s23+$0x80] =	vst v5;
	v5 =	vmul.f32 $8.000000000e+00, v6;
	v2 =	vld [tilespmem:s23+$0xF0]  }
0xaf: {  	s23 =	sadd.s32 $0x200, s23;
	v4 =	vld [tilespmem:s22+$0xFFFFFFF0];
	[tilespmem:s22+$0x90] =	vst v8;
	v6 =	vmul.f32 $8.000000000e+00, v7  }
0xb0: {  	[tilespmem:s22+$0xA0] =	vst v5;
	v0 =	vmul.f32 $8.000000000e+00, v0  }
0xb1: {  	[tilespmem:s22+$0xB0] =	vst v6;
	v1 =	vmul.f32 $8.000000000e+00, v1  }
0xb2: {  	s21 =	smul.u32 $0x6000, s20;
	[tilespmem:s22+$0xC0] =	vst v0;
	v61 =	vmul.f32 $8.000000000e+00, v3  }
0xb3: {  	[tilespmem:s22+$0xD0] =	vst v1;
	v62 =	vmul.f32 $8.000000000e+00, v2  }
0xb4: {  	s23 =	sadd.s32 s7, s21;
	v63 =	vmul.f32 $8.000000000e+00, v4;
	[tilespmem:s22+$0xE0] =	vst v61  }
0xb5: {  	s23 =	sshrl.u32 s23, $0x3;
	[tilespmem:s22+$0xF0] =	vst v62  }
.Ltmp4:
0xb6: {  	s31 =	sadd.s32 s2, s23;
	[tilespmem:s22+$0xFFFFFFF0] =	vst v63;
	(pc) =	sbr.rel @p0 .LBB2_10-.Ltmp4, $4  }
0xb7: {  	[hbm4b:s31+s3] =	stream.linear.scatter [tilespmem:s13], [sflag:$0x5], $0x2000, $0x38;
	[tilespmem:$0xC400] =	vst v63  }
0xb8: {  	_ =	swait.ge [sflag:s15], $0x2000  }
0xb9: {  	[sflag:s15] =	ssyncset.done $0x0  }
0xba: {  	[sflag:s15] =	ssyncadd.s32 $0xFFFFE000  }
0xbb: {  	s22 =	smul.u32 $0x600, s20;
	_ =	sdelay $0x1  }
0xbc: {  	s22 =	sshra.s32 s22, $0x2  }
0xbd: {  	s22 =	sadd.s32 $0x200, s22  }
0xbe: {  	[tilespmem:s13], [sflag:$0x2] =	stream.indirect.gather [hbm4b:s4+s11], $0x40, s22, s11, $0xb8;
	[tilespmem:$0xC400] =	vst v63  }
0xbf: {  	_ =	swait.ge [sflag:s17], $0x2000  }
0xc0: {  	[sflag:s17] =	ssyncset.done $0x0  }
0xc1: {  	s22 =	simm.s32 $0xA500;
	[sflag:s17] =	ssyncadd.s32 $0xFFFFE000  }
0xc2: {  	v0 =	vld [tilespmem:s22+$0xFFFFFF00]  }
0xc3: {  	v1 =	vld [tilespmem:s22+$0xFFFFFF10]  }
0xc4: {  	v2 =	vld [tilespmem:s22+$0xFFFFFF20]  }
0xc5: {  	v3 =	vld [tilespmem:s22+$0xFFFFFF30]  }
0xc6: {  	v4 =	vld [tilespmem:s22+$0xFFFFFF40]  }
0xc7: {  	v5 =	vld [tilespmem:s22+$0xFFFFFF50];
	v0 =	vmul.f32 $8.000000000e+00, v0  }
0xc8: {  	v6 =	vld [tilespmem:s22+$0xFFFFFF60];
	v1 =	vmul.f32 $8.000000000e+00, v1  }
0xc9: {  	[tilespmem:s22+$0xFFFFFF00] =	vst v0;
	v0 =	vmul.f32 $8.000000000e+00, v2;
	v2 =	vld [tilespmem:s22+$0xFFFFFF70]  }
0xca: {  	[tilespmem:s22+$0xFFFFFF10] =	vst v1;
	v1 =	vmul.f32 $8.000000000e+00, v3;
	v3 =	vld [tilespmem:s22+$0xFFFFFF80]  }
0xcb: {  	[tilespmem:s22+$0xFFFFFF20] =	vst v0;
	v0 =	vmul.f32 $8.000000000e+00, v4;
	v4 =	vld [tilespmem:s22+$0xFFFFFF90]  }
0xcc: {  	[tilespmem:s22+$0xFFFFFF30] =	vst v1;
	v1 =	vmul.f32 $8.000000000e+00, v5;
	v5 =	vld [tilespmem:s22+$0xFFFFFFA0]  }
0xcd: {  	[tilespmem:s22+$0xFFFFFF40] =	vst v0;
	v0 =	vmul.f32 $8.000000000e+00, v6;
	v6 =	vld [tilespmem:s22+$0xFFFFFFB0]  }
0xce: {  	[tilespmem:s22+$0xFFFFFF50] =	vst v1;
	v1 =	vmul.f32 $8.000000000e+00, v2;
	v2 =	vld [tilespmem:s22+$0xFFFFFFC0]  }
0xcf: {  	[tilespmem:s22+$0xFFFFFF60] =	vst v0;
	v0 =	vmul.f32 $8.000000000e+00, v3;
	v3 =	vld [tilespmem:s22+$0xFFFFFFD0]  }
0xd0: {  	[tilespmem:s22+$0xFFFFFF70] =	vst v1;
	v1 =	vmul.f32 $8.000000000e+00, v4;
	v4 =	vld [tilespmem:s22+$0xFFFFFFE0]  }
0xd1: {  	[tilespmem:s22+$0xFFFFFF80] =	vst v0;
	v0 =	vmul.f32 $8.000000000e+00, v5;
	v5 =	vld [tilespmem:s22+$0x0]  }
0xd2: {  	[tilespmem:s22+$0xFFFFFF90] =	vst v1;
	v1 =	vmul.f32 $8.000000000e+00, v6;
	v6 =	vld [tilespmem:s22+$0x10]  }
0xd3: {  	[tilespmem:s22+$0xFFFFFFA0] =	vst v0;
	v0 =	vmul.f32 $8.000000000e+00, v2;
	v2 =	vld [tilespmem:s22+$0x20]  }
0xd4: {  	[tilespmem:s22+$0xFFFFFFB0] =	vst v1;
	v1 =	vmul.f32 $8.000000000e+00, v3;
	v3 =	vld [tilespmem:s22+$0x30]  }
0xd5: {  	[tilespmem:s22+$0xFFFFFFC0] =	vst v0;
	v0 =	vmul.f32 $8.000000000e+00, v4;
	v4 =	vld [tilespmem:s22+$0x40]  }
0xd6: {  	[tilespmem:s22+$0xFFFFFFD0] =	vst v1;
	v1 =	vmul.f32 $8.000000000e+00, v5;
	v5 =	vld [tilespmem:s22+$0x50]  }
0xd7: {  	[tilespmem:s22+$0xFFFFFFE0] =	vst v0;
	v0 =	vmul.f32 $8.000000000e+00, v6;
	v6 =	vld [tilespmem:s22+$0x60]  }
0xd8: {  	[tilespmem:s22+$0x0] =	vst v1;
	v1 =	vmul.f32 $8.000000000e+00, v2;
	v2 =	vld [tilespmem:s22+$0x70]  }
0xd9: {  	[tilespmem:s22+$0x10] =	vst v0;
	v0 =	vmul.f32 $8.000000000e+00, v3;
	v3 =	vld [tilespmem:s22+$0x80]  }
0xda: {  	[tilespmem:s22+$0x20] =	vst v1;
	v1 =	vmul.f32 $8.000000000e+00, v4;
	v4 =	vld [tilespmem:s22+$0x90]  }
0xdb: {  	[tilespmem:s22+$0x30] =	vst v0;
	v0 =	vmul.f32 $8.000000000e+00, v5;
	v5 =	vld [tilespmem:s22+$0xA0]  }
0xdc: {  	[tilespmem:s22+$0x40] =	vst v1;
	v1 =	vmul.f32 $8.000000000e+00, v6;
	v6 =	vld [tilespmem:s22+$0xB0]  }
0xdd: {  	[tilespmem:s22+$0x50] =	vst v0;
	v2 =	vmul.f32 $8.000000000e+00, v2;
	v0 =	vld [tilespmem:s22+$0xC0]  }
0xde: {  	[tilespmem:s22+$0x60] =	vst v1;
	v3 =	vmul.f32 $8.000000000e+00, v3;
	v1 =	vld [tilespmem:s22+$0xD0]  }
0xdf: {  	[tilespmem:s22+$0x70] =	vst v2;
	v7 =	vmul.f32 $8.000000000e+00, v4;
	v2 =	vld [tilespmem:s22+$0xE0]  }
0xe0: {  	[tilespmem:s22+$0x80] =	vst v3;
	v3 =	vld [tilespmem:s22+$0xF0];
	v5 =	vmul.f32 $8.000000000e+00, v5  }
0xe1: {  	s23 =	simm.s32 $0x0;
	s24 =	simm.s32 $0xA700;
	v4 =	vld [tilespmem:s22+$0xFFFFFFF0];
	[tilespmem:s22+$0x90] =	vst v7;
	v6 =	vmul.f32 $8.000000000e+00, v6  }
.LBB2_8:
0xe2: {  	v7 =	vld [tilespmem:s24+$0xFFFFFF00];
	[tilespmem:s22+$0xA0] =	vst v5;
	v0 =	vmul.f32 $8.000000000e+00, v0  }
0xe3: {  	v5 =	vld [tilespmem:s24+$0xFFFFFF10];
	[tilespmem:s22+$0xB0] =	vst v6;
	v1 =	vmul.f32 $8.000000000e+00, v1  }
0xe4: {  	v6 =	vld [tilespmem:s24+$0xFFFFFF20];
	[tilespmem:s22+$0xC0] =	vst v0;
	v0 =	vmul.f32 $8.000000000e+00, v2  }
0xe5: {  	v2 =	vld [tilespmem:s24+$0xFFFFFF30];
	[tilespmem:s22+$0xD0] =	vst v1;
	v1 =	vmul.f32 $8.000000000e+00, v3  }
0xe6: {  	v3 =	vld [tilespmem:s24+$0xFFFFFF40];
	v4 =	vmul.f32 $8.000000000e+00, v4;
	[tilespmem:s22+$0xE0] =	vst v0  }
0xe7: {  	v0 =	vmul.f32 $8.000000000e+00, v7;
	v7 =	vld [tilespmem:s24+$0xFFFFFF50];
	[tilespmem:s22+$0xF0] =	vst v1  }
0xe8: {  	v1 =	vmul.f32 $8.000000000e+00, v5;
	v5 =	vld [tilespmem:s24+$0xFFFFFF60];
	[tilespmem:s22+$0xFFFFFFF0] =	vst v4;
	s22 =	smov.u32 s24  }
0xe9: {  	[tilespmem:s24+$0xFFFFFF00] =	vst v0;
	v0 =	vmul.f32 $8.000000000e+00, v6;
	v4 =	vld [tilespmem:s24+$0xFFFFFF70]  }
0xea: {  	[tilespmem:s24+$0xFFFFFF10] =	vst v1;
	v1 =	vmul.f32 $8.000000000e+00, v2;
	v2 =	vld [tilespmem:s24+$0xFFFFFF80]  }
0xeb: {  	[tilespmem:s24+$0xFFFFFF20] =	vst v0;
	v0 =	vmul.f32 $8.000000000e+00, v3;
	v3 =	vld [tilespmem:s24+$0xFFFFFF90]  }
0xec: {  	[tilespmem:s24+$0xFFFFFF30] =	vst v1;
	v1 =	vmul.f32 $8.000000000e+00, v7;
	v6 =	vld [tilespmem:s24+$0xFFFFFFA0]  }
0xed: {  	[tilespmem:s24+$0xFFFFFF40] =	vst v0;
	v0 =	vmul.f32 $8.000000000e+00, v5;
	v5 =	vld [tilespmem:s24+$0xFFFFFFB0]  }
0xee: {  	[tilespmem:s24+$0xFFFFFF50] =	vst v1;
	v1 =	vmul.f32 $8.000000000e+00, v4;
	v4 =	vld [tilespmem:s24+$0xFFFFFFC0]  }
0xef: {  	[tilespmem:s24+$0xFFFFFF60] =	vst v0;
	v0 =	vmul.f32 $8.000000000e+00, v2;
	v2 =	vld [tilespmem:s24+$0xFFFFFFD0]  }
0xf0: {  	[tilespmem:s24+$0xFFFFFF70] =	vst v1;
	v1 =	vmul.f32 $8.000000000e+00, v3;
	v3 =	vld [tilespmem:s24+$0xFFFFFFE0]  }
0xf1: {  	[tilespmem:s24+$0xFFFFFF80] =	vst v0;
	v0 =	vmul.f32 $8.000000000e+00, v6;
	v6 =	vld [tilespmem:s24+$0x0]  }
0xf2: {  	[tilespmem:s24+$0xFFFFFF90] =	vst v1;
	v1 =	vmul.f32 $8.000000000e+00, v5;
	v5 =	vld [tilespmem:s24+$0x10]  }
0xf3: {  	[tilespmem:s24+$0xFFFFFFA0] =	vst v0;
	v0 =	vmul.f32 $8.000000000e+00, v4;
	v4 =	vld [tilespmem:s24+$0x20]  }
0xf4: {  	[tilespmem:s24+$0xFFFFFFB0] =	vst v1;
	v1 =	vmul.f32 $8.000000000e+00, v2;
	v2 =	vld [tilespmem:s24+$0x30]  }
0xf5: {  	[tilespmem:s24+$0xFFFFFFC0] =	vst v0;
	v0 =	vmul.f32 $8.000000000e+00, v3;
	v3 =	vld [tilespmem:s24+$0x40]  }
0xf6: {  	[tilespmem:s24+$0xFFFFFFD0] =	vst v1;
	v1 =	vmul.f32 $8.000000000e+00, v6;
	v6 =	vld [tilespmem:s24+$0x50]  }
0xf7: {  	[tilespmem:s24+$0xFFFFFFE0] =	vst v0;
	v0 =	vmul.f32 $8.000000000e+00, v5;
	v5 =	vld [tilespmem:s24+$0x60]  }
0xf8: {  	[tilespmem:s24+$0x0] =	vst v1;
	v1 =	vmul.f32 $8.000000000e+00, v4;
	v4 =	vld [tilespmem:s24+$0x70]  }
0xf9: {  	[tilespmem:s24+$0x10] =	vst v0;
	v0 =	vmul.f32 $8.000000000e+00, v2;
	v2 =	vld [tilespmem:s24+$0x80]  }
0xfa: {  	[tilespmem:s24+$0x20] =	vst v1;
	v1 =	vmul.f32 $8.000000000e+00, v3;
	v3 =	vld [tilespmem:s24+$0x90]  }
0xfb: {  	s23 =	sadd.s32 $0x8, s23;
	[tilespmem:s24+$0x30] =	vst v0;
	v0 =	vmul.f32 $8.000000000e+00, v6;
	v6 =	vld [tilespmem:s24+$0xA0]  }
0xfc: {  	p0 =	slt.u32 s23, $0x78;
	[tilespmem:s24+$0x40] =	vst v1;
	v1 =	vmul.f32 $8.000000000e+00, v5;
	v7 =	vld [tilespmem:s24+$0xB0]  }
.Ltmp5:
0xfd: {  	[tilespmem:s24+$0x50] =	vst v0;
	v4 =	vmul.f32 $8.000000000e+00, v4;
	v0 =	vld [tilespmem:s24+$0xC0];
	(pc) =	sbr.rel @p0 .LBB2_8-.Ltmp5, $4  }
0xfe: {  	[tilespmem:s24+$0x60] =	vst v1;
	v5 =	vmul.f32 $8.000000000e+00, v2;
	v1 =	vld [tilespmem:s24+$0xD0]  }
0xff: {  	[tilespmem:s24+$0x70] =	vst v4;
	v8 =	vmul.f32 $8.000000000e+00, v3;
	v2 =	vld [tilespmem:s24+$0xE0]  }
0x100: {  	[tilespmem:s24+$0x80] =	vst v5;
	v5 =	vmul.f32 $8.000000000e+00, v6;
	v3 =	vld [tilespmem:s24+$0xF0]  }
0x101: {  	s24 =	sadd.s32 $0x200, s24;
	v4 =	vld [tilespmem:s22+$0xFFFFFFF0];
	[tilespmem:s22+$0x90] =	vst v8;
	v6 =	vmul.f32 $8.000000000e+00, v7  }
0x102: {  	[tilespmem:s22+$0xA0] =	vst v5;
	v0 =	vmul.f32 $8.000000000e+00, v0  }
0x103: {  	[tilespmem:s22+$0xB0] =	vst v6;
	v1 =	vmul.f32 $8.000000000e+00, v1  }
0x104: {  	[tilespmem:s22+$0xC0] =	vst v0;
	v61 =	vmul.f32 $8.000000000e+00, v2  }
0x105: {  	[tilespmem:s22+$0xD0] =	vst v1;
	v62 =	vmul.f32 $8.000000000e+00, v3  }
0x106: {  	s21 =	sadd.s32 s8, s21;
	v63 =	vmul.f32 $8.000000000e+00, v4;
	[tilespmem:s22+$0xE0] =	vst v61  }
0x107: {  	s21 =	sshrl.u32 s21, $0x3;
	[tilespmem:s22+$0xF0] =	vst v62  }
.Ltmp6:
0x108: {  	s21 =	sadd.s32 s2, s21;
	[tilespmem:s22+$0xFFFFFFF0] =	vst v63;
	(pc) =	sbr.rel .LBB2_2-.Ltmp6, $4  }
0x109: {  	[hbm4b:s21+s3] =	stream.linear.scatter [tilespmem:s18], [sflag:$0x4], $0x2000, $0x38;
	[tilespmem:$0xC400] =	vst v63  }
0x10a: {  	_ =	swait.ge [sflag:s10], $0x2000  }
0x10b: {  	[sflag:s10] =	ssyncset.done $0x0  }
0x10c: {  	s20 =	sadd.s32 $0x1, s20;
	[sflag:s10] =	ssyncadd.s32 $0xFFFFE000  }
.LBB2_11:
0x10d: {  	_ =	sfence.sel $0x180000  }
0x10e: {  	[bflag:$0x0] =	sbarrier.arrive $0xFFFF  }
0x10f: {  	p0 =	sne.s32 s0, $0x0;
	_ =	strace $0x90000047  }
0x110: {  	s0 =	sadd.s32 @!p0 $0x100000, s1;
	[bflag:$0x2] =	sbarrier.arrive $0xFFFF  }
0x111: {  	[sflag:s0] =	ssyncadd.tile.s32 @!p0 $0x1;
	_ =	shalt  }
.Lfunc_end2:
_tile_overlayer_lowered:
.L_overlay_start_2:
0x112: {  	(tag) =	ssettag $0x2  }
0x113: {  	s0 =	rddreg [dreg:$0x0];
	s2 =	stileid.u32  }
0x114: {  	s1 =	rddreg [dreg:$0x1];
	p0 =	sne.s32 s2, $0x0  }
0x115: {  	s3 =	rddreg [dreg:$0x2];
	[bflag:$0x3] =	sbarrier.arrive $0xFFFF;
	s2 =	simm.s32 @!p0 $0x1C04  }
0x116: {  	[timem:s3], [sflag:s2] =	dma.local @!p0 [hbm:s0], s1  }
0x117: {  	s0 =	simm.s32 @!p0 $0x4  }
0x118: {  	_ =	swait.ge @!p0 [sflag:s0], s1  }
0x119: {  	s1 =	ssub.s32 @!p0 $0x0, s1;
	[sflag:s0] =	ssyncset.done @!p0 $0x0  }
0x11a: {  	[sflag:s0] =	ssyncadd.s32 @!p0 s1  }
0x11b: {  	[bflag:$0x3] =	sbarrier.arrive $0xFFFF  }
0x11c: {  	_ =	shalt  }

// kernel: sparse-core-data-format-call.cloned.1.call-start
scs
called_computation_lowered:
.L_overlay_start_0:
0x0: {  	s2 =	sld [smem:$0x3FD9]  }
0x1: {  	s3 =	sld [smem:$0x3FFE];
	_ =	sdelay $0x1  }
0x2: {  	s1 =	srdreg.scid  }
0x3: {  	s0 =	sand.u32 $0x1, s1  }
0x4: {  	s18 =	sshll.u32 s0, $0xA;
	s2 =	sadd.s32 s3, s2  }
0x5: {  	s2 =	sadd.s32 s2, s18  }
0x6: {  	[smem:$0x3FC6] =	sst s2  }
0x7: {  	_ = 	snop  }
0x8: {  	s2 =	sld [smem:$0x3FD0];
	(tm) =	ssettm $0x1  }
0x9: {  	s19 =	sld [smem:$0x3FFB];
	_ =	sdelay $0x3  }
0xa: {  	_ =	strace s19  }
0xb: {  	s3 =	sld [smem:$0x3FFC];
	_ =	sdelay $0x3  }
0xc: {  	_ =	strace s3  }
0xd: {  	s3 =	sld [smem:$0x3FFD];
	_ =	sdelay $0x3  }
0xe: {  	_ =	strace s3  }
0xf: {  	_ =	strace $0x8FFFFFFF  }
0x10: {  	s20 =	sld [smem:$0x3FDB];
	_ =	sdelay $0x1  }
0x11: {  	s4 =	simm.s32 $_scs_section_size  }
0x12: {  	s5 =	simm.s32 $_size__tile_overlayer_lowered;
	s6 =	simm.s32 $_tile_overlayer_lowered  }
0x13: {  	s23 =	simm.s32 $0x1BFF;
	s22 =	sshll.u32 s6, $0x1;
	s3 =	sadd.s32 s4, s20  }
0x14: {  	s7 =	simm.s32 $0x0;
	s21 =	sshll.u32 s5, $0x1;
	s5 =	sadd.s32 s22, s3  }
0x15: {  	[timem:s7], [sflag:s23] =	dma.local [hbm:s5], s21  }
0x16: {  	_ =	swait.ge [sflag:s23], s21  }
0x17: {  	s4 =	ssub.s32 $0x0, s21;
	[sflag:s23] =	ssyncset.done $0x0  }
0x18: {  	[sflag:s23] =	ssyncadd.s32 s4;
	_ =	sdelay $0x1  }
0x19: {  	s24 =	simm.s32 $0x1B8B  }
0x1a: {  	_ =	swait.ge [sflag:s24], $0x1  }
0x1b: {  	[sflag:s24] =	ssyncset.done $0x0  }
0x1c: {  	s26 =	simm.s32 $0x1B8E;
	s25 =	sld [smem:$0x3FFE];
	[sflag:s24] =	ssyncadd.s32 $0xFFFFFFFF  }
0x1d: {  	s27 =	simm.s32 $execute0_lowered;
	[smem:$0x3FD2] =	sst s26  }
0x1e: {  	s5 =	sshll.u32 s27, $0x1;
	_ =	strace $0x80000049;
	[dreg:$0x1] =	wrdreg $0xFFFFFFFF  }
0x1f: {  	s28 =	simm.s32 $_size_execute0_lowered;
	s3 =	sadd.s32 s3, s5;
	[dreg:$0x0] =	wrdreg $0x0  }
0x20: {  	s5 =	sshll.u32 s28, $0x1;
	[dreg:$0x2] =	wrdreg s3  }
0x21: {  	[dreg:$0x3] =	wrdreg s5  }
0x22: {  	[dreg:$0x4] =	wrdreg $0xC0  }
0x23: {  	_ =	task [dreg:s7], $0x5FFFF  }
0x24: {  	[dreg:$0x1] =	wrdreg $0xFFFFFFFF  }
0x25: {  	[dreg:$0x0] =	wrdreg $0x60  }
0x26: {  	[dreg:$0x2] =	wrdreg s25  }
0x27: {  	[dreg:$0x3] =	wrdreg s2  }
0x28: {  	[dreg:$0x4] =	wrdreg $0x9  }
0x29: {  	_ =	task.clear_ibuf [dreg:s7], $0x5FFFF;
	_ =	strace $0x90000049  }
0x2a: {  	s29 =	simm.s32 $0x9;
	_ =	strace $0x8000004B  }
0x2b: {  	_ =	swait.ge [sflag:s29], $0x1  }
0x2c: {  	[sflag:s29] =	ssyncadd.s32 $0xFFFFFFFF  }
0x2d: {  	_ =	strace $0x9000004B  }
0x2e: {  	_ =	sfence  }
0x2f: {  	s30 =	sld [smem:$0x0];
	_ =	sdelay $0x2  }
0x30: {  	s31 =	sshll.u32 s1, $0xD;
	s1 =	sshrl.u32 s1, $0x2  }
0x31: {  	s3 =	sand.u32 $0x4000, s31;
	s1 =	sadd.s32 s1, s30  }
0x32: {  	s0 =	sor.u32 s3, s0;
	s1 =	sshll.u32 s1, $0x11  }
0x33: {  	s0 =	sor.u32 s1, s0  }
0x34: {  	s0 =	sadd.s32 $0x8F2B, s0  }
0x35: {  	[sflag:s0] =	ssyncadd.remote.s32 $0x1  }
0x36: {  	_ =	sfence.sel $0xFFFF  }
0x37: {  	[dreg:$0x0] =	wrdreg $0xFFFFFFFF;
	(pc) =	sbr.abs _section_cstart, $3  }
0x38: {  	[dreg:$0x1] =	wrdreg $0xFFFFFFFF  }
0x39: {  	_ =	task.clear_ibuf [dreg:s7], $0x2FFFF;
	_ =	strace $0x9FFFFFFF  }
0x3a: {  	(tm) =	ssettm $0x7FFFFFFF  }
0x3b: {  	_ =	shalt  }
tec
execute0_lowered:
.L_overlay_start_1:
0x0: {  	(tag) =	ssettag $0x1  }
0x1: {  	s0 =	srdreg.scid  }
0x2: {  	s1 =	sshll.u32 s0, $0x4  }
0x3: {  	s4 =	rddreg [dreg:$0x0];
	s0 =	stileid.u32;
	s1 =	sand.u32 $0x10, s1  }
0x4: {  	s2 =	rddreg [dreg:$0x1];
	s7 =	simm.s32 $0x1;
	s1 =	sor.u32 s0, s1  }
0x5: {  	s8 =	simm.s32 $0x2;
	s11 =	simm.s32 $0x0;
	s3 =	sshll.u32 s1, $0x7  }
0x6: {  	s10 =	simm.s32 $0x0;
	s4 =	sadd.s32 $0x800, s4;
	s6 =	ssub.s32 $0xC8000, s3  }
.Ltmp0:
0x7: {  	s1 =	rddreg [dreg:$0x2];
	s5 =	sand.u32 $0xF80, s6;
	(pc) =	sbr.rel .LBB1_1-.Ltmp0, $4  }
0x8: {  	_ =	strace $0x8000004A;
	s9 =	smov.u32 s3;
	p0 =	sne.s32 s5, $0x0  }
0x9: {  	s6 =	sshrl.u32 s6, $0xC;
	s5 =	simm.s32 $0x1;
	s7 =	simm.s32 @!p0 $0x0  }
0xa: {  	[sflag:s5] =	ssyncpa.u1 $0x0;
	p0 =	por $0x0, $0x0;
	s6 =	sadd.s32 s7, s6  }
0xb: {  	[sflag:s8] =	ssyncpa.u1 $0x0;
	s8 =	simm.s32 $0x640000;
	s7 =	sadd.s32 $0x1, s6  }
.LBB1_4:
0xc: {  	s14 =	sshll.u32 s11, $0x3  }
0xd: {  	s30 =	sand.u32 $0x7F, s11;
	s15 =	sand.u32 $0xFFFFFC00, s14  }
0xe: {  	s11 =	sor.u32 s30, s15  }
0xf: {  	s15 =	smulhi.u32 $0x51EB851F, s11  }
0x10: {  	s14 =	smulhi.u32 $0x51EB851F, s14  }
0x11: {  	s15 =	sshrl.u32 s15, $0x12  }
0x12: {  	s14 =	sshrl.u32 s14, $0x12;
	s15 =	smul.u32 $0xC8000, s15  }
0x13: {  	s14 =	sand.u32 $0x3F, s14  }
0x14: {  	s14 =	smul.u32 $0x19000, s14;
	s11 =	ssub.s32 s11, s15  }
0x15: {  	[tilespmem:s13+$0x810 ss:$0x81] =	vst.msk $0xffff, v2;
	s15 =	sand.u32 $0x7, s11  }
0x16: {  	[tilespmem:s13+$0x1020 ss:$0x81] =	vst.msk $0xffff, v0;
	s14 =	sadd.s32 s2, s14;
	s11 =	sshrl.u32 s11, $0x3;
	s15 =	sshll.u32 s15, $0x12  }
0x17: {  	[tilespmem:s13+$0x0 ss:$0x81] =	vst.msk $0xffff, v1;
	s11 =	sadd.s32 s11, s14;
	s31 =	sor.u32 $0x400, s15  }
0x18: {  	[hbm4b:s11+s31] =	stream.strided.scatter [tilespmem:s12], [sflag:$0x2], $0x2000, s8, s31, $0x20;
	[tilespmem:$0x8080] =	vst v63  }
.LBB1_5:
0x19: {  	s13 =	sadd.s32 $0x1000, s9  }
0x1a: {  	p2 =	sgt.s32 s13, $0xC7FFF  }
0x1b: {  	s13 =	smov.u32 @p2 s3;
	p2 =	sne.s32 s10, s7  }
.Ltmp1:
0x1c: {  	p1 =	slt.u32 s10, $0x2;
	(pc) =	sbr.rel @!p2 .LBB1_6-.Ltmp1, $4  }
0x1d: {  	s12 =	simm.s32 @!p1 $0x2  }
0x1e: {  	s14 =	sadd.s32 $0x1, s10;
	_ =	swait.ge @!p1 [sflag:s12], $0x2000  }
0x1f: {  	s11 =	smov.u32 s9;
	p0 =	por !p0, !p0;
	[sflag:s12] =	ssyncset.done @!p1 $0x0  }
0x20: {  	s10 =	smov.u32 s14;
	s9 =	smov.u32 s13;
	[sflag:s12] =	ssyncadd.s32 @!p1 $0xFFFFE000  }
.LBB1_1:
0x21: {  	p1 =	sge.u32 s10, s6  }
0x22: {  	s12 =	sand.u32 @!p1 $0x1FFFFFF, s9  }
0x23: {  	s13 =	smulhi.u32 @!p1 $0x147AE15, s12;
	_ =	sdelay $0x1  }
0x24: {  	s13 =	sshrl.u32 @!p1 s13, $0xC  }
0x25: {  	s13 =	smul.u32 @!p1 $0xC8000, s13;
	_ =	sdelay $0x1  }
0x26: {  	s31 =	sadd.s32 $0xFFFFFFFF, s10;
	s14 =	sxor.u32 @!p1 $0xFFFFFFFF, s10;
	s12 =	ssub.s32 @!p1 s12, s13  }
0x27: {  	s15 =	simm.s32 @!p1 $0x80;
	s14 =	sshll.u32 @!p1 s14, $0xD;
	s12 =	sshll.u32 @!p1 s12, $0x4  }
0x28: {  	s13 =	sand.u32 @!p1 $0x2000, s14;
	s14 =	simm.s32 @!p1 $0x40;
	s12 =	sadd.s32 @!p1 s4, s12  }
0x29: {  	[tilespmem:s13], [sflag:$0x1] =	stream.strided.gather @!p1 [hbm4b:s12+s14], $0x2000, s15, s14, $0x38;
	[tilespmem:$0x8080] =	vst v63  }
0x2a: {  	p1 =	sge.u32 s31, s6  }
.Ltmp2:
0x2b: {  	_ = 	snop;
	(pc) =	sbr.rel @p1 .LBB1_5-.Ltmp2, $1  }
0x2c: {  	_ =	sdelay $0x3  }
0x2d: {  	s12 =	simm.s32 $0x1  }
0x2e: {  	_ =	swait.ge [sflag:s5], $0x2000;
	s12 =	simm.s32 @!p0 $0x0  }
0x2f: {  	[sflag:s5] =	ssyncset.done $0x0;
	s13 =	sshll.u32 s12, $0xD  }
0x30: {  	[sflag:s5] =	ssyncadd.s32 $0xFFFFE000;
	s16 =	sor.u32 $0x20, s13  }
0x31: {  	s12 =	smul.u32 $0x8100, s12;
	v3 =	vld [tilespmem:s16+$0x10]  }
0x32: {  	s30 =	sand.u32 $0x1, s10;
	v2 =	vld [tilespmem:s16+$0xFFFFFFF0]  }
0x33: {  	s13 =	smul.u32 $0x8100, s30;
	s12 =	sshrl.u32 s12, $0x2;
	v0 =	vld [tilespmem:s16+$0x0]  }
0x34: {  	v1 =	vld [tilespmem:s16+$0xFFFFFFE0];
	s14 =	sor.u32 $0x4000, s12  }
0x35: {  	s31 =	sshrl.u32 s13, $0x2;
	s13 =	sadd.s32 $0x0, s14  }
0x36: {  	s15 =	simm.s32 $0x4;
	s16 =	sadd.s32 $0x40, s16;
	s12 =	sor.u32 $0x4000, s31;
	[tilespmem:s13+$0x1830 ss:$0x81] =	vst.msk $0xffff, v3  }
.LBB1_3:
0x37: {  	v3 =	vld [tilespmem:s16+$0x10];
	p1 =	sne.s32 s15, $0x1FC;
	[tilespmem:s13+$0x810 ss:$0x81] =	vst.msk $0xffff, v2;
	s17 =	smov.u32 s15;
	s15 =	sadd.s32 $0x4, s15  }
.Ltmp3:
0x38: {  	v2 =	vld [tilespmem:s16+$0xFFFFFFF0];
	[tilespmem:s13+$0x1020 ss:$0x81] =	vst.msk $0xffff, v0;
	(pc) =	sbr.rel @p1 .LBB1_3-.Ltmp3, $4  }
0x39: {  	v0 =	vld [tilespmem:s16+$0x0];
	[tilespmem:s13+$0x0 ss:$0x81] =	vst.msk $0xffff, v1  }
0x3a: {  	s13 =	sshra.s32 s17, $0x2;
	v1 =	vld [tilespmem:s16+$0xFFFFFFE0]  }
0x3b: {  	s13 =	sadd.s32 s13, s14  }
0x3c: {  	s16 =	sadd.s32 $0x40, s16;
	[tilespmem:s13+$0x1830 ss:$0x81] =	vst.msk $0xffff, v3  }
.Ltmp4:
0x3d: {  	_ = 	snop;
	(pc) =	sbr.rel .LBB1_4-.Ltmp4, $1  }
0x3e: {  	_ =	sdelay $0x3  }
.LBB1_6:
0x3f: {  	_ =	sfence.sel $0x180000  }
0x40: {  	s2 =	simm.s32 $0x1;
	[bflag:$0x0] =	sbarrier.arrive $0xFFFF  }
0x41: {  	s31 =	simm.s32 $0x2;
	[sflag:s2] =	ssyncpa.u1 $0x1  }
0x42: {  	[sflag:s31] =	ssyncpa.u1 $0x1  }
0x43: {  	p0 =	sne.s32 s0, $0x0;
	_ =	strace $0x9000004A  }
0x44: {  	s0 =	sadd.s32 @!p0 $0x100000, s1;
	[bflag:$0x2] =	sbarrier.arrive $0xFFFF  }
0x45: {  	[sflag:s0] =	ssyncadd.tile.s32 @!p0 $0x1;
	_ =	shalt  }
.Lfunc_end1:
_tile_overlayer_lowered:
.L_overlay_start_2:
0x46: {  	(tag) =	ssettag $0x2  }
0x47: {  	s0 =	rddreg [dreg:$0x0];
	s2 =	stileid.u32  }
0x48: {  	s1 =	rddreg [dreg:$0x1];
	p0 =	sne.s32 s2, $0x0  }
0x49: {  	s3 =	rddreg [dreg:$0x2];
	[bflag:$0x3] =	sbarrier.arrive $0xFFFF;
	s2 =	simm.s32 @!p0 $0x1C01  }
0x4a: {  	[timem:s3], [sflag:s2] =	dma.local @!p0 [hbm:s0], s1  }
0x4b: {  	s0 =	simm.s32 @!p0 $0x1  }
0x4c: {  	_ =	swait.ge @!p0 [sflag:s0], s1  }
0x4d: {  	s1 =	ssub.s32 @!p0 $0x0, s1;
	[sflag:s0] =	ssyncset.done @!p0 $0x0  }
0x4e: {  	[sflag:s0] =	ssyncadd.s32 @!p0 s1  }
0x4f: {  	[bflag:$0x3] =	sbarrier.arrive $0xFFFF  }
0x50: {  	_ =	shalt  }

</sc_bundles>
